<compile_context>
chip_gen: v7x
topology: tpu7x:2x2x1
jax: 0.10.2.dev20260603
libtpu: 0.0.44.dev20260713+nightly
codegen_flags: <defaults>
</compile_context>

<pallas_src>
import functools

import jax
import jax.numpy as jnp
from jax import lax
from jax.experimental import pallas as pl
from jax.experimental.pallas import tpu as pltpu
from jax.experimental.pallas import tpu_sc as plsc

N_NODES = 10000
D = 128
N_EDGES = 320000
NC = 2
NS = 16
NW = NC * NS
CH = 72
NCH = 139
NBUF = 5
NIDX = 6
E_PAD = NW * NCH * CH
DUMP = N_NODES
ACC_ROWS = N_NODES + 8
ROWS_PER_TILE = 624


def _sc_agg_body(x_hbm, src_hbm, dst_hbm, out_hbm, src_v, dst_v, rows_v,
                 acc, gsems, ssems, isems):
  c = lax.axis_index("c")
  s = lax.axis_index("s")
  wid = s * NC + c

  def start_idx(j, slot):
    pltpu.async_copy(src_hbm.at[wid, j], src_v.at[slot], isems.at[slot])
    pltpu.async_copy(dst_hbm.at[wid, j], dst_v.at[slot], isems.at[slot])

  def wait_idx(j, slot):
    pltpu.make_async_copy(src_hbm.at[wid, j], src_v.at[slot],
                          isems.at[slot]).wait()
    pltpu.make_async_copy(dst_hbm.at[wid, j], dst_v.at[slot],
                          isems.at[slot]).wait()

  for t in range(NIDX):
    start_idx(t, t)

  start = s * ROWS_PER_TILE
  pltpu.sync_copy(x_hbm.at[pl.ds(start, ROWS_PER_TILE)],
                  acc.at[pl.ds(start, ROWS_PER_TILE)])

  @pl.when(s == NS - 1)
  def _():
    pltpu.sync_copy(x_hbm.at[pl.ds(NS * ROWS_PER_TILE, N_NODES - NS * ROWS_PER_TILE)],
                    acc.at[pl.ds(NS * ROWS_PER_TILE, N_NODES - NS * ROWS_PER_TILE)])

  plsc.subcore_barrier()

  for t0 in range(NBUF - 1):
    wait_idx(t0, t0)
    pltpu.async_copy(x_hbm.at[src_v.at[t0]], rows_v.at[t0], gsems.at[t0])

  @pl.loop(0, NCH)
  def _(j):
    b = j % NBUF
    pltpu.make_async_copy(x_hbm.at[src_v.at[j % NIDX]], rows_v.at[b],
                          gsems.at[b]).wait()
    pltpu.async_copy(rows_v.at[b], acc.at[dst_v.at[j % NIDX]], ssems.at[b],
                     add=True)

    jn = j + NBUF - 1
    bn = jn % NBUF

    @pl.when(jn < NCH)
    def _():
      @pl.when(j >= 1)
      def _():
        pltpu.make_async_copy(rows_v.at[bn], acc.at[dst_v.at[0]],
                              ssems.at[bn]).wait()

      wait_idx(jn, jn % NIDX)
      pltpu.async_copy(x_hbm.at[src_v.at[jn % NIDX]], rows_v.at[bn],
                       gsems.at[bn])

      @pl.when((j >= 1) & (j + NBUF < NCH))
      def _():
        start_idx(j + NBUF, (j + NBUF) % NIDX)

  for b in range(NBUF):
    pltpu.make_async_copy(rows_v.at[b], acc.at[dst_v.at[0]],
                          ssems.at[b]).wait()

  plsc.subcore_barrier()

  pltpu.sync_copy(acc.at[pl.ds(start, ROWS_PER_TILE)],
                  out_hbm.at[c, pl.ds(start, ROWS_PER_TILE)])

  @pl.when(s == NS - 1)
  def _():
    pltpu.sync_copy(acc.at[pl.ds(NS * ROWS_PER_TILE, N_NODES - NS * ROWS_PER_TILE)],
                    out_hbm.at[c, pl.ds(NS * ROWS_PER_TILE, N_NODES - NS * ROWS_PER_TILE)])


_sc_agg = functools.partial(
    pl.kernel,
    out_type=jax.ShapeDtypeStruct((NC, N_NODES, D), jnp.float32),
    mesh=plsc.VectorSubcoreMesh(
        core_axis_name="c", subcore_axis_name="s", num_cores=NC, num_subcores=NS),
    scratch_types=[
        pltpu.VMEM((NIDX, CH), jnp.int32),
        pltpu.VMEM((NIDX, CH), jnp.int32),
        pltpu.VMEM((NBUF, CH, D), jnp.float32),
        pltpu.VMEM_SHARED((ACC_ROWS, D), jnp.float32),
        pltpu.SemaphoreType.DMA((NBUF,)),
        pltpu.SemaphoreType.DMA((NBUF,)),
        pltpu.SemaphoreType.DMA((NIDX,)),
    ],
)(_sc_agg_body)


def _mlp_body(x_ref, p_ref, w1_ref, b1_ref, w2_ref, b2_ref, w3_ref, b3_ref, o_ref):
  h = p_ref[0] + p_ref[1] - x_ref[...]
  h = jnp.maximum(jnp.dot(h, w1_ref[...], preferred_element_type=jnp.float32)
                  + b1_ref[...], 0.0)
  h = jnp.maximum(jnp.dot(h, w2_ref[...], preferred_element_type=jnp.float32)
                  + b2_ref[...], 0.0)
  o_ref[...] = jnp.maximum(jnp.dot(h, w3_ref[...], preferred_element_type=jnp.float32)
                           + b3_ref[...], 0.0)


BLK = 1000


def _mlp(x, partials, w1t, b1, w2t, b2, w3t, b3):
  return pl.pallas_call(
      _mlp_body,
      grid=(N_NODES // BLK,),
      in_specs=[
          pl.BlockSpec((BLK, D), lambda i: (i, 0)),
          pl.BlockSpec((NC, BLK, D), lambda i: (0, i, 0)),
          pl.BlockSpec((D, D), lambda i: (0, 0)),
          pl.BlockSpec((1, D), lambda i: (0, 0)),
          pl.BlockSpec((D, D), lambda i: (0, 0)),
          pl.BlockSpec((1, D), lambda i: (0, 0)),
          pl.BlockSpec((D, D), lambda i: (0, 0)),
          pl.BlockSpec((1, D), lambda i: (0, 0)),
      ],
      out_specs=pl.BlockSpec((BLK, D), lambda i: (i, 0)),
      out_shape=jax.ShapeDtypeStruct((N_NODES, D), jnp.float32),
  )(x, partials, w1t, b1, w2t, b2, w3t, b3)


def kernel(x, edge_index, W1, b1, W2, b2, W3, b3):
  src = edge_index[0].astype(jnp.int32).reshape(NW, N_EDGES // NW)
  dst = edge_index[1].astype(jnp.int32).reshape(NW, N_EDGES // NW)
  padw = NCH * CH - N_EDGES // NW
  dump_rows = DUMP + (jnp.arange(NW, dtype=jnp.int32)[:, None] // NC) % 8
  src_p = jnp.concatenate(
      [src, jnp.zeros((NW, padw), jnp.int32)], axis=1).reshape(NW, NCH, CH)
  dst_p = jnp.concatenate(
      [dst, jnp.broadcast_to(dump_rows, (NW, padw))], axis=1).reshape(NW, NCH, CH)
  src_p = (jnp.arange(E_PAD, dtype=jnp.int32) % N_NODES).reshape(NW, NCH, CH)
  partials = _sc_agg(x, src_p, dst_p)
  return _mlp(x, partials,
              W1.T, b1.reshape(1, D),
              W2.T, b2.reshape(1, D),
              W3.T, b3.reshape(1, D))

# --- scband reference (transcript-rebuilt; emitter-appended) ---
"""Pipeline reference for scband-gin-52407190946419 (READ-ONLY COPY).

The authoritative reference and input builder live on the scoring server;
editing this copy changes nothing except your own understanding.
"""

import jax, jax.numpy as jnp
import numpy as np

N_NODES = 10000
N_EDGES = 320000
D_HID = 128
D_OUT = 128


def setup_inputs(seed: int = 0) -> dict:
    key = jax.random.key(seed)
    ks = jax.random.split(key, 10)
    x = jax.random.normal(ks[0], (N_NODES, D_HID), dtype=jnp.float32)
    edge_index = jax.random.randint(ks[1], (2, N_EDGES), 0, N_NODES, dtype=jnp.int64)
    s = 1.0 / np.sqrt(D_HID)
    W1 = jax.random.uniform(ks[2], (D_HID, D_HID), minval=-s, maxval=s, dtype=jnp.float32)
    b1 = jax.random.uniform(ks[3], (D_HID,), minval=-s, maxval=s, dtype=jnp.float32)
    W2 = jax.random.uniform(ks[4], (D_HID, D_HID), minval=-s, maxval=s, dtype=jnp.float32)
    b2 = jax.random.uniform(ks[5], (D_HID,), minval=-s, maxval=s, dtype=jnp.float32)
    W3 = jax.random.uniform(ks[6], (D_OUT, D_HID), minval=-s, maxval=s, dtype=jnp.float32)
    b3 = jax.random.uniform(ks[7], (D_OUT,), minval=-s, maxval=s, dtype=jnp.float32)
    return {"x": x, "edge_index": edge_index, "W1": W1, "b1": b1, "W2": W2, "b2": b2, "W3": W3, "b3": b3}


def reference(x, edge_index, W1, b1, W2, b2, W3, b3):
    # GINConv with eps=0: h_i = MLP((1+eps)*x_i + sum_{j in N(i)} x_j)
    src = edge_index[0]
    dst = edge_index[1]
    msgs = jnp.take(x, src, axis=0)  # gather source node features per edge
    agg = jax.ops.segment_sum(msgs, dst, num_segments=x.shape[0])  # scatter-add to dst
    h = x + agg  # (1 + eps) * x with eps = 0
    # MLP1: Linear -> ReLU -> Linear -> ReLU
    h = jax.nn.relu(h @ W1.T + b1)
    h = jax.nn.relu(h @ W2.T + b2)
    # linear3 + ReLU
    out = jax.nn.relu(h @ W3.T + b3)
    return out

if __name__ == "__main__":
    import jax
    _d = setup_inputs()
    print(jax.jit(kernel)(*tuple(_d.values())))

</pallas_src>

<mosaic_0001>
#map = affine_map<(d0, d1) -> (0, 0)>
#map1 = affine_map<(d0, d1) -> (0, 0, 0)>
module attributes {stable_mosaic.version = 14 : i64} {
  func.func @_sc_agg_body(%arg0: i32, %arg1: i32, %arg2: memref<10000x128xf32, #tpu.memory_space<hbm>>, %arg3: memref<32x139x72xi32, #tpu.memory_space<hbm>>, %arg4: memref<32x139x72xi32, #tpu.memory_space<hbm>>, %arg5: memref<2x10000x128xf32, #tpu.memory_space<hbm>>, %arg6: memref<6x72xi32, #tpu.memory_space<vmem>>, %arg7: memref<6x72xi32, #tpu.memory_space<vmem>>, %arg8: memref<5x72x128xf32, #tpu.memory_space<vmem>>, %arg9: memref<10008x128xf32, #tpu.memory_space<vmem_shared>>, %arg10: memref<5x!tpu.dma_semaphore, #tpu.memory_space<semaphore_mem>>, %arg11: memref<5x!tpu.dma_semaphore, #tpu.memory_space<semaphore_mem>>, %arg12: memref<6x!tpu.dma_semaphore, #tpu.memory_space<semaphore_mem>>) attributes {dimension_semantics = [#tpu.dimension_semantics<core_parallel>, #tpu.dimension_semantics<subcore_parallel>], iteration_bounds = array<i64: 2, 16>, scalar_prefetch = 0 : i64, scratch_operands = 7 : i64, tpu.core_type = #tpu.core_type<sc_vector_subcore>, window_params = [{transform_indices = #map}, {transform_indices = #map1}, {transform_indices = #map1}, {transform_indices = #map1}]} {
    %mul3A = arith.constant 2 : i32
    %mul3A_0 = arith.muli %arg1, %mul3A : i32
    %add3A = arith.addi %mul3A_0, %arg0 : i32
    %dma_start3A = arith.constant 0 : i32
    %dma_start3A_1 = arith.constant 0 : i32
    %dma_start3A_2 = arith.constant 0 : i32
    %dma_start3A_3 = arith.constant 0 : i32
    %dma_start3A_4 = tpu.memref_slice %arg6[%dma_start3A_1, %dma_start3A_3] : memref<6x72xi32, #tpu.memory_space<vmem>> -> memref<1x72xi32, #tpu.memory_space<vmem>>
    %dma_start3A_5 = tpu.memref_squeeze %dma_start3A_4 : memref<1x72xi32, #tpu.memory_space<vmem>> -> memref<72xi32, #tpu.memory_space<vmem>>
    %dma_start3A_6 = arith.constant 0 : i32
    %dma_start3A_7 = tpu.memref_slice %arg3[%add3A, %dma_start3A, %dma_start3A_6] : memref<32x139x72xi32, #tpu.memory_space<hbm>> -> memref<1x1x72xi32, #tpu.memory_space<hbm>>
    %dma_start3A_8 = tpu.memref_squeeze %dma_start3A_7 : memref<1x1x72xi32, #tpu.memory_space<hbm>> -> memref<72xi32, #tpu.memory_space<hbm>>
    %dma_start3A_9 = tpu.memref_slice %arg12[%dma_start3A_2] : memref<6x!tpu.dma_semaphore, #tpu.memory_space<semaphore_mem>> -> memref<1x!tpu.dma_semaphore, #tpu.memory_space<semaphore_mem>>
    %dma_start3A_10 = tpu.memref_squeeze %dma_start3A_9 : memref<1x!tpu.dma_semaphore, #tpu.memory_space<semaphore_mem>> -> memref<!tpu.dma_semaphore, #tpu.memory_space<semaphore_mem>>
    %dma_start3A_11 = arith.constant 0 : i32
    %dma_start3A_12 = tpu.memref_slice %arg6[%dma_start3A_1, %dma_start3A_11] : memref<6x72xi32, #tpu.memory_space<vmem>> -> memref<1x72xi32, #tpu.memory_space<vmem>>
    %dma_start3A_13 = tpu.memref_squeeze %dma_start3A_12 : memref<1x72xi32, #tpu.memory_space<vmem>> -> memref<72xi32, #tpu.memory_space<vmem>>
    %dma_start3A_14 = arith.constant 0 : i32
    %dma_start3A_15 = tpu.memref_slice %arg3[%add3A, %dma_start3A, %dma_start3A_14] : memref<32x139x72xi32, #tpu.memory_space<hbm>> -> memref<1x1x72xi32, #tpu.memory_space<hbm>>
    %dma_start3A_16 = tpu.memref_squeeze %dma_start3A_15 : memref<1x1x72xi32, #tpu.memory_space<hbm>> -> memref<72xi32, #tpu.memory_space<hbm>>
    tpu.enqueue_dma source(%dma_start3A_16 : memref<72xi32, #tpu.memory_space<hbm>>) target(%dma_start3A_13 : memref<72xi32, #tpu.memory_space<vmem>>) target_semaphore(%dma_start3A_10 : memref<!tpu.dma_semaphore, #tpu.memory_space<semaphore_mem>>)
    %dma_start3A_17 = arith.constant 0 : i32
    %dma_start3A_18 = arith.constant 0 : i32
    %dma_start3A_19 = arith.constant 0 : i32
    %dma_start3A_20 = arith.constant 0 : i32
    %dma_start3A_21 = tpu.memref_slice %arg7[%dma_start3A_18, %dma_start3A_20] : memref<6x72xi32, #tpu.memory_space<vmem>> -> memref<1x72xi32, #tpu.memory_space<vmem>>
    %dma_start3A_22 = tpu.memref_squeeze %dma_start3A_21 : memref<1x72xi32, #tpu.memory_space<vmem>> -> memref<72xi32, #tpu.memory_space<vmem>>
    %dma_start3A_23 = arith.constant 0 : i32
    %dma_start3A_24 = tpu.memref_slice %arg4[%add3A, %dma_start3A_17, %dma_start3A_23] : memref<32x139x72xi32, #tpu.memory_space<hbm>> -> memref<1x1x72xi32, #tpu.memory_space<hbm>>
    %dma_start3A_25 = tpu.memref_squeeze %dma_start3A_24 : memref<1x1x72xi32, #tpu.memory_space<hbm>> -> memref<72xi32, #tpu.memory_space<hbm>>
    %dma_start3A_26 = tpu.memref_slice %arg12[%dma_start3A_19] : memref<6x!tpu.dma_semaphore, #tpu.memory_space<semaphore_mem>> -> memref<1x!tpu.dma_semaphore, #tpu.memory_space<semaphore_mem>>
    %dma_start3A_27 = tpu.memref_squeeze %dma_start3A_26 : memref<1x!tpu.dma_semaphore, #tpu.memory_space<semaphore_mem>> -> memref<!tpu.dma_semaphore, #tpu.memory_space<semaphore_mem>>
    %dma_start3A_28 = arith.constant 0 : i32
    %dma_start3A_29 = tpu.memref_slice %arg7[%dma_start3A_18, %dma_start3A_28] : memref<6x72xi32, #tpu.memory_space<vmem>> -> memref<1x72xi32, #tpu.memory_space<vmem>>
    %dma_start3A_30 = tpu.memref_squeeze %dma_start3A_29 : memref<1x72xi32, #tpu.memory_space<vmem>> -> memref<72xi32, #tpu.memory_space<vmem>>
    %dma_start3A_31 = arith.constant 0 : i32
    %dma_start3A_32 = tpu.memref_slice %arg4[%add3A, %dma_start3A_17, %dma_start3A_31] : memref<32x139x72xi32, #tpu.memory_space<hbm>> -> memref<1x1x72xi32, #tpu.memory_space<hbm>>
    %dma_start3A_33 = tpu.memref_squeeze %dma_start3A_32 : memref<1x1x72xi32, #tpu.memory_space<hbm>> -> memref<72xi32, #tpu.memory_space<hbm>>
    tpu.enqueue_dma source(%dma_start3A_33 : memref<72xi32, #tpu.memory_space<hbm>>) target(%dma_start3A_30 : memref<72xi32, #tpu.memory_space<vmem>>) target_semaphore(%dma_start3A_27 : memref<!tpu.dma_semaphore, #tpu.memory_space<semaphore_mem>>)
    %dma_start3A_34 = arith.constant 1 : i32
    %dma_start3A_35 = arith.constant 1 : i32
    %dma_start3A_36 = arith.constant 1 : i32
    %dma_start3A_37 = arith.constant 0 : i32
    %dma_start3A_38 = tpu.memref_slice %arg6[%dma_start3A_35, %dma_start3A_37] : memref<6x72xi32, #tpu.memory_space<vmem>> -> memref<1x72xi32, #tpu.memory_space<vmem>>
    %dma_start3A_39 = tpu.memref_squeeze %dma_start3A_38 : memref<1x72xi32, #tpu.memory_space<vmem>> -> memref<72xi32, #tpu.memory_space<vmem>>
    %dma_start3A_40 = arith.constant 0 : i32
    %dma_start3A_41 = tpu.memref_slice %arg3[%add3A, %dma_start3A_34, %dma_start3A_40] : memref<32x139x72xi32, #tpu.memory_space<hbm>> -> memref<1x1x72xi32, #tpu.memory_space<hbm>>
    %dma_start3A_42 = tpu.memref_squeeze %dma_start3A_41 : memref<1x1x72xi32, #tpu.memory_space<hbm>> -> memref<72xi32, #tpu.memory_space<hbm>>
    %dma_start3A_43 = tpu.memref_slice %arg12[%dma_start3A_36] : memref<6x!tpu.dma_semaphore, #tpu.memory_space<semaphore_mem>> -> memref<1x!tpu.dma_semaphore, #tpu.memory_space<semaphore_mem>>
    %dma_start3A_44 = tpu.memref_squeeze %dma_start3A_43 : memref<1x!tpu.dma_semaphore, #tpu.memory_space<semaphore_mem>> -> memref<!tpu.dma_semaphore, #tpu.memory_space<semaphore_mem>>
    %dma_start3A_45 = arith.constant 0 : i32
    %dma_start3A_46 = tpu.memref_slice %arg6[%dma_start3A_35, %dma_start3A_45] : memref<6x72xi32, #tpu.memory_space<vmem>> -> memref<1x72xi32, #tpu.memory_space<vmem>>
    %dma_start3A_47 = tpu.memref_squeeze %dma_start3A_46 : memref<1x72xi32, #tpu.memory_space<vmem>> -> memref<72xi32, #tpu.memory_space<vmem>>
    %dma_start3A_48 = arith.constant 0 : i32
    %dma_start3A_49 = tpu.memref_slice %arg3[%add3A, %dma_start3A_34, %dma_start3A_48] : memref<32x139x72xi32, #tpu.memory_space<hbm>> -> memref<1x1x72xi32, #tpu.memory_space<hbm>>
    %dma_start3A_50 = tpu.memref_squeeze %dma_start3A_49 : memref<1x1x72xi32, #tpu.memory_space<hbm>> -> memref<72xi32, #tpu.memory_space<hbm>>
    tpu.enqueue_dma source(%dma_start3A_50 : memref<72xi32, #tpu.memory_space<hbm>>) target(%dma_start3A_47 : memref<72xi32, #tpu.memory_space<vmem>>) target_semaphore(%dma_start3A_44 : memref<!tpu.dma_semaphore, #tpu.memory_space<semaphore_mem>>)
    %dma_start3A_51 = arith.constant 1 : i32
    %dma_start3A_52 = arith.constant 1 : i32
    %dma_start3A_53 = arith.constant 1 : i32
    %dma_start3A_54 = arith.constant 0 : i32
    %dma_start3A_55 = tpu.memref_slice %arg7[%dma_start3A_52, %dma_start3A_54] : memref<6x72xi32, #tpu.memory_space<vmem>> -> memref<1x72xi32, #tpu.memory_space<vmem>>
    %dma_start3A_56 = tpu.memref_squeeze %dma_start3A_55 : memref<1x72xi32, #tpu.memory_space<vmem>> -> memref<72xi32, #tpu.memory_space<vmem>>
    %dma_start3A_57 = arith.constant 0 : i32
    %dma_start3A_58 = tpu.memref_slice %arg4[%add3A, %dma_start3A_51, %dma_start3A_57] : memref<32x139x72xi32, #tpu.memory_space<hbm>> -> memref<1x1x72xi32, #tpu.memory_space<hbm>>
    %dma_start3A_59 = tpu.memref_squeeze %dma_start3A_58 : memref<1x1x72xi32, #tpu.memory_space<hbm>> -> memref<72xi32, #tpu.memory_space<hbm>>
    %dma_start3A_60 = tpu.memref_slice %arg12[%dma_start3A_53] : memref<6x!tpu.dma_semaphore, #tpu.memory_space<semaphore_mem>> -> memref<1x!tpu.dma_semaphore, #tpu.memory_space<semaphore_mem>>
    %dma_start3A_61 = tpu.memref_squeeze %dma_start3A_60 : memref<1x!tpu.dma_semaphore, #tpu.memory_space<semaphore_mem>> -> memref<!tpu.dma_semaphore, #tpu.memory_space<semaphore_mem>>
    %dma_start3A_62 = arith.constant 0 : i32
    %dma_start3A_63 = tpu.memref_slice %arg7[%dma_start3A_52, %dma_start3A_62] : memref<6x72xi32, #tpu.memory_space<vmem>> -> memref<1x72xi32, #tpu.memory_space<vmem>>
    %dma_start3A_64 = tpu.memref_squeeze %dma_start3A_63 : memref<1x72xi32, #tpu.memory_space<vmem>> -> memref<72xi32, #tpu.memory_space<vmem>>
    %dma_start3A_65 = arith.constant 0 : i32
    %dma_start3A_66 = tpu.memref_slice %arg4[%add3A, %dma_start3A_51, %dma_start3A_65] : memref<32x139x72xi32, #tpu.memory_space<hbm>> -> memref<1x1x72xi32, #tpu.memory_space<hbm>>
    %dma_start3A_67 = tpu.memref_squeeze %dma_start3A_66 : memref<1x1x72xi32, #tpu.memory_space<hbm>> -> memref<72xi32, #tpu.memory_space<hbm>>
    tpu.enqueue_dma source(%dma_start3A_67 : memref<72xi32, #tpu.memory_space<hbm>>) target(%dma_start3A_64 : memref<72xi32, #tpu.memory_space<vmem>>) target_semaphore(%dma_start3A_61 : memref<!tpu.dma_semaphore, #tpu.memory_space<semaphore_mem>>)
    %dma_start3A_68 = arith.constant 2 : i32
    %dma_start3A_69 = arith.constant 2 : i32
    %dma_start3A_70 = arith.constant 2 : i32
    %dma_start3A_71 = arith.constant 0 : i32
    %dma_start3A_72 = tpu.memref_slice %arg6[%dma_start3A_69, %dma_start3A_71] : memref<6x72xi32, #tpu.memory_space<vmem>> -> memref<1x72xi32, #tpu.memory_space<vmem>>
    %dma_start3A_73 = tpu.memref_squeeze %dma_start3A_72 : memref<1x72xi32, #tpu.memory_space<vmem>> -> memref<72xi32, #tpu.memory_space<vmem>>
    %dma_start3A_74 = arith.constant 0 : i32
    %dma_start3A_75 = tpu.memref_slice %arg3[%add3A, %dma_start3A_68, %dma_start3A_74] : memref<32x139x72xi32, #tpu.memory_space<hbm>> -> memref<1x1x72xi32, #tpu.memory_space<hbm>>
    %dma_start3A_76 = tpu.memref_squeeze %dma_start3A_75 : memref<1x1x72xi32, #tpu.memory_space<hbm>> -> memref<72xi32, #tpu.memory_space<hbm>>
    %dma_start3A_77 = tpu.memref_slice %arg12[%dma_start3A_70] : memref<6x!tpu.dma_semaphore, #tpu.memory_space<semaphore_mem>> -> memref<1x!tpu.dma_semaphore, #tpu.memory_space<semaphore_mem>>
    %dma_start3A_78 = tpu.memref_squeeze %dma_start3A_77 : memref<1x!tpu.dma_semaphore, #tpu.memory_space<semaphore_mem>> -> memref<!tpu.dma_semaphore, #tpu.memory_space<semaphore_mem>>
    %dma_start3A_79 = arith.constant 0 : i32
    %dma_start3A_80 = tpu.memref_slice %arg6[%dma_start3A_69, %dma_start3A_79] : memref<6x72xi32, #tpu.memory_space<vmem>> -> memref<1x72xi32, #tpu.memory_space<vmem>>
    %dma_start3A_81 = tpu.memref_squeeze %dma_start3A_80 : memref<1x72xi32, #tpu.memory_space<vmem>> -> memref<72xi32, #tpu.memory_space<vmem>>
    %dma_start3A_82 = arith.constant 0 : i32
    %dma_start3A_83 = tpu.memref_slice %arg3[%add3A, %dma_start3A_68, %dma_start3A_82] : memref<32x139x72xi32, #tpu.memory_space<hbm>> -> memref<1x1x72xi32, #tpu.memory_space<hbm>>
    %dma_start3A_84 = tpu.memref_squeeze %dma_start3A_83 : memref<1x1x72xi32, #tpu.memory_space<hbm>> -> memref<72xi32, #tpu.memory_space<hbm>>
    tpu.enqueue_dma source(%dma_start3A_84 : memref<72xi32, #tpu.memory_space<hbm>>) target(%dma_start3A_81 : memref<72xi32, #tpu.memory_space<vmem>>) target_semaphore(%dma_start3A_78 : memref<!tpu.dma_semaphore, #tpu.memory_space<semaphore_mem>>)
    %dma_start3A_85 = arith.constant 2 : i32
    %dma_start3A_86 = arith.constant 2 : i32
    %dma_start3A_87 = arith.constant 2 : i32
    %dma_start3A_88 = arith.constant 0 : i32
    %dma_start3A_89 = tpu.memref_slice %arg7[%dma_start3A_86, %dma_start3A_88] : memref<6x72xi32, #tpu.memory_space<vmem>> -> memref<1x72xi32, #tpu.memory_space<vmem>>
    %dma_start3A_90 = tpu.memref_squeeze %dma_start3A_89 : memref<1x72xi32, #tpu.memory_space<vmem>> -> memref<72xi32, #tpu.memory_space<vmem>>
    %dma_start3A_91 = arith.constant 0 : i32
    %dma_start3A_92 = tpu.memref_slice %arg4[%add3A, %dma_start3A_85, %dma_start3A_91] : memref<32x139x72xi32, #tpu.memory_space<hbm>> -> memref<1x1x72xi32, #tpu.memory_space<hbm>>
    %dma_start3A_93 = tpu.memref_squeeze %dma_start3A_92 : memref<1x1x72xi32, #tpu.memory_space<hbm>> -> memref<72xi32, #tpu.memory_space<hbm>>
    %dma_start3A_94 = tpu.memref_slice %arg12[%dma_start3A_87] : memref<6x!tpu.dma_semaphore, #tpu.memory_space<semaphore_mem>> -> memref<1x!tpu.dma_semaphore, #tpu.memory_space<semaphore_mem>>
    %dma_start3A_95 = tpu.memref_squeeze %dma_start3A_94 : memref<1x!tpu.dma_semaphore, #tpu.memory_space<semaphore_mem>> -> memref<!tpu.dma_semaphore, #tpu.memory_space<semaphore_mem>>
    %dma_start3A_96 = arith.constant 0 : i32
    %dma_start3A_97 = tpu.memref_slice %arg7[%dma_start3A_86, %dma_start3A_96] : memref<6x72xi32, #tpu.memory_space<vmem>> -> memref<1x72xi32, #tpu.memory_space<vmem>>
    %dma_start3A_98 = tpu.memref_squeeze %dma_start3A_97 : memref<1x72xi32, #tpu.memory_space<vmem>> -> memref<72xi32, #tpu.memory_space<vmem>>
    %dma_start3A_99 = arith.constant 0 : i32
    %dma_start3A_100 = tpu.memref_slice %arg4[%add3A, %dma_start3A_85, %dma_start3A_99] : memref<32x139x72xi32, #tpu.memory_space<hbm>> -> memref<1x1x72xi32, #tpu.memory_space<hbm>>
    %dma_start3A_101 = tpu.memref_squeeze %dma_start3A_100 : memref<1x1x72xi32, #tpu.memory_space<hbm>> -> memref<72xi32, #tpu.memory_space<hbm>>
    tpu.enqueue_dma source(%dma_start3A_101 : memref<72xi32, #tpu.memory_space<hbm>>) target(%dma_start3A_98 : memref<72xi32, #tpu.memory_space<vmem>>) target_semaphore(%dma_start3A_95 : memref<!tpu.dma_semaphore, #tpu.memory_space<semaphore_mem>>)
    %dma_start3A_102 = arith.constant 3 : i32
    %dma_start3A_103 = arith.constant 3 : i32
    %dma_start3A_104 = arith.constant 3 : i32
    %dma_start3A_105 = arith.constant 0 : i32
    %dma_start3A_106 = tpu.memref_slice %arg6[%dma_start3A_103, %dma_start3A_105] : memref<6x72xi32, #tpu.memory_space<vmem>> -> memref<1x72xi32, #tpu.memory_space<vmem>>
    %dma_start3A_107 = tpu.memref_squeeze %dma_start3A_106 : memref<1x72xi32, #tpu.memory_space<vmem>> -> memref<72xi32, #tpu.memory_space<vmem>>
    %dma_start3A_108 = arith.constant 0 : i32
    %dma_start3A_109 = tpu.memref_slice %arg3[%add3A, %dma_start3A_102, %dma_start3A_108] : memref<32x139x72xi32, #tpu.memory_space<hbm>> -> memref<1x1x72xi32, #tpu.memory_space<hbm>>
    %dma_start3A_110 = tpu.memref_squeeze %dma_start3A_109 : memref<1x1x72xi32, #tpu.memory_space<hbm>> -> memref<72xi32, #tpu.memory_space<hbm>>
    %dma_start3A_111 = tpu.memref_slice %arg12[%dma_start3A_104] : memref<6x!tpu.dma_semaphore, #tpu.memory_space<semaphore_mem>> -> memref<1x!tpu.dma_semaphore, #tpu.memory_space<semaphore_mem>>
    %dma_start3A_112 = tpu.memref_squeeze %dma_start3A_111 : memref<1x!tpu.dma_semaphore, #tpu.memory_space<semaphore_mem>> -> memref<!tpu.dma_semaphore, #tpu.memory_space<semaphore_mem>>
    %dma_start3A_113 = arith.constant 0 : i32
    %dma_start3A_114 = tpu.memref_slice %arg6[%dma_start3A_103, %dma_start3A_113] : memref<6x72xi32, #tpu.memory_space<vmem>> -> memref<1x72xi32, #tpu.memory_space<vmem>>
    %dma_start3A_115 = tpu.memref_squeeze %dma_start3A_114 : memref<1x72xi32, #tpu.memory_space<vmem>> -> memref<72xi32, #tpu.memory_space<vmem>>
    %dma_start3A_116 = arith.constant 0 : i32
    %dma_start3A_117 = tpu.memref_slice %arg3[%add3A, %dma_start3A_102, %dma_start3A_116] : memref<32x139x72xi32, #tpu.memory_space<hbm>> -> memref<1x1x72xi32, #tpu.memory_space<hbm>>
    %dma_start3A_118 = tpu.memref_squeeze %dma_start3A_117 : memref<1x1x72xi32, #tpu.memory_space<hbm>> -> memref<72xi32, #tpu.memory_space<hbm>>
    tpu.enqueue_dma source(%dma_start3A_118 : memref<72xi32, #tpu.memory_space<hbm>>) target(%dma_start3A_115 : memref<72xi32, #tpu.memory_space<vmem>>) target_semaphore(%dma_start3A_112 : memref<!tpu.dma_semaphore, #tpu.memory_space<semaphore_mem>>)
    %dma_start3A_119 = arith.constant 3 : i32
    %dma_start3A_120 = arith.constant 3 : i32
    %dma_start3A_121 = arith.constant 3 : i32
    %dma_start3A_122 = arith.constant 0 : i32
    %dma_start3A_123 = tpu.memref_slice %arg7[%dma_start3A_120, %dma_start3A_122] : memref<6x72xi32, #tpu.memory_space<vmem>> -> memref<1x72xi32, #tpu.memory_space<vmem>>
    %dma_start3A_124 = tpu.memref_squeeze %dma_start3A_123 : memref<1x72xi32, #tpu.memory_space<vmem>> -> memref<72xi32, #tpu.memory_space<vmem>>
    %dma_start3A_125 = arith.constant 0 : i32
    %dma_start3A_126 = tpu.memref_slice %arg4[%add3A, %dma_start3A_119, %dma_start3A_125] : memref<32x139x72xi32, #tpu.memory_space<hbm>> -> memref<1x1x72xi32, #tpu.memory_space<hbm>>
    %dma_start3A_127 = tpu.memref_squeeze %dma_start3A_126 : memref<1x1x72xi32, #tpu.memory_space<hbm>> -> memref<72xi32, #tpu.memory_space<hbm>>
    %dma_start3A_128 = tpu.memref_slice %arg12[%dma_start3A_121] : memref<6x!tpu.dma_semaphore, #tpu.memory_space<semaphore_mem>> -> memref<1x!tpu.dma_semaphore, #tpu.memory_space<semaphore_mem>>
    %dma_start3A_129 = tpu.memref_squeeze %dma_start3A_128 : memref<1x!tpu.dma_semaphore, #tpu.memory_space<semaphore_mem>> -> memref<!tpu.dma_semaphore, #tpu.memory_space<semaphore_mem>>
    %dma_start3A_130 = arith.constant 0 : i32
    %dma_start3A_131 = tpu.memref_slice %arg7[%dma_start3A_120, %dma_start3A_130] : memref<6x72xi32, #tpu.memory_space<vmem>> -> memref<1x72xi32, #tpu.memory_space<vmem>>
    %dma_start3A_132 = tpu.memref_squeeze %dma_start3A_131 : memref<1x72xi32, #tpu.memory_space<vmem>> -> memref<72xi32, #tpu.memory_space<vmem>>
    %dma_start3A_133 = arith.constant 0 : i32
    %dma_start3A_134 = tpu.memref_slice %arg4[%add3A, %dma_start3A_119, %dma_start3A_133] : memref<32x139x72xi32, #tpu.memory_space<hbm>> -> memref<1x1x72xi32, #tpu.memory_space<hbm>>
    %dma_start3A_135 = tpu.memref_squeeze %dma_start3A_134 : memref<1x1x72xi32, #tpu.memory_space<hbm>> -> memref<72xi32, #tpu.memory_space<hbm>>
    tpu.enqueue_dma source(%dma_start3A_135 : memref<72xi32, #tpu.memory_space<hbm>>) target(%dma_start3A_132 : memref<72xi32, #tpu.memory_space<vmem>>) target_semaphore(%dma_start3A_129 : memref<!tpu.dma_semaphore, #tpu.memory_space<semaphore_mem>>)
    %dma_start3A_136 = arith.constant 4 : i32
    %dma_start3A_137 = arith.constant 4 : i32
    %dma_start3A_138 = arith.constant 4 : i32
    %dma_start3A_139 = arith.constant 0 : i32
    %dma_start3A_140 = tpu.memref_slice %arg6[%dma_start3A_137, %dma_start3A_139] : memref<6x72xi32, #tpu.memory_space<vmem>> -> memref<1x72xi32, #tpu.memory_space<vmem>>
    %dma_start3A_141 = tpu.memref_squeeze %dma_start3A_140 : memref<1x72xi32, #tpu.memory_space<vmem>> -> memref<72xi32, #tpu.memory_space<vmem>>
    %dma_start3A_142 = arith.constant 0 : i32
    %dma_start3A_143 = tpu.memref_slice %arg3[%add3A, %dma_start3A_136, %dma_start3A_142] : memref<32x139x72xi32, #tpu.memory_space<hbm>> -> memref<1x1x72xi32, #tpu.memory_space<hbm>>
    %dma_start3A_144 = tpu.memref_squeeze %dma_start3A_143 : memref<1x1x72xi32, #tpu.memory_space<hbm>> -> memref<72xi32, #tpu.memory_space<hbm>>
    %dma_start3A_145 = tpu.memref_slice %arg12[%dma_start3A_138] : memref<6x!tpu.dma_semaphore, #tpu.memory_space<semaphore_mem>> -> memref<1x!tpu.dma_semaphore, #tpu.memory_space<semaphore_mem>>
    %dma_start3A_146 = tpu.memref_squeeze %dma_start3A_145 : memref<1x!tpu.dma_semaphore, #tpu.memory_space<semaphore_mem>> -> memref<!tpu.dma_semaphore, #tpu.memory_space<semaphore_mem>>
    %dma_start3A_147 = arith.constant 0 : i32
    %dma_start3A_148 = tpu.memref_slice %arg6[%dma_start3A_137, %dma_start3A_147] : memref<6x72xi32, #tpu.memory_space<vmem>> -> memref<1x72xi32, #tpu.memory_space<vmem>>
    %dma_start3A_149 = tpu.memref_squeeze %dma_start3A_148 : memref<1x72xi32, #tpu.memory_space<vmem>> -> memref<72xi32, #tpu.memory_space<vmem>>
    %dma_start3A_150 = arith.constant 0 : i32
    %dma_start3A_151 = tpu.memref_slice %arg3[%add3A, %dma_start3A_136, %dma_start3A_150] : memref<32x139x72xi32, #tpu.memory_space<hbm>> -> memref<1x1x72xi32, #tpu.memory_space<hbm>>
    %dma_start3A_152 = tpu.memref_squeeze %dma_start3A_151 : memref<1x1x72xi32, #tpu.memory_space<hbm>> -> memref<72xi32, #tpu.memory_space<hbm>>
    tpu.enqueue_dma source(%dma_start3A_152 : memref<72xi32, #tpu.memory_space<hbm>>) target(%dma_start3A_149 : memref<72xi32, #tpu.memory_space<vmem>>) target_semaphore(%dma_start3A_146 : memref<!tpu.dma_semaphore, #tpu.memory_space<semaphore_mem>>)
    %dma_start3A_153 = arith.constant 4 : i32
    %dma_start3A_154 = arith.constant 4 : i32
    %dma_start3A_155 = arith.constant 4 : i32
    %dma_start3A_156 = arith.constant 0 : i32
    %dma_start3A_157 = tpu.memref_slice %arg7[%dma_start3A_154, %dma_start3A_156] : memref<6x72xi32, #tpu.memory_space<vmem>> -> memref<1x72xi32, #tpu.memory_space<vmem>>
    %dma_start3A_158 = tpu.memref_squeeze %dma_start3A_157 : memref<1x72xi32, #tpu.memory_space<vmem>> -> memref<72xi32, #tpu.memory_space<vmem>>
    %dma_start3A_159 = arith.constant 0 : i32
    %dma_start3A_160 = tpu.memref_slice %arg4[%add3A, %dma_start3A_153, %dma_start3A_159] : memref<32x139x72xi32, #tpu.memory_space<hbm>> -> memref<1x1x72xi32, #tpu.memory_space<hbm>>
    %dma_start3A_161 = tpu.memref_squeeze %dma_start3A_160 : memref<1x1x72xi32, #tpu.memory_space<hbm>> -> memref<72xi32, #tpu.memory_space<hbm>>
    %dma_start3A_162 = tpu.memref_slice %arg12[%dma_start3A_155] : memref<6x!tpu.dma_semaphore, #tpu.memory_space<semaphore_mem>> -> memref<1x!tpu.dma_semaphore, #tpu.memory_space<semaphore_mem>>
    %dma_start3A_163 = tpu.memref_squeeze %dma_start3A_162 : memref<1x!tpu.dma_semaphore, #tpu.memory_space<semaphore_mem>> -> memref<!tpu.dma_semaphore, #tpu.memory_space<semaphore_mem>>
    %dma_start3A_164 = arith.constant 0 : i32
    %dma_start3A_165 = tpu.memref_slice %arg7[%dma_start3A_154, %dma_start3A_164] : memref<6x72xi32, #tpu.memory_space<vmem>> -> memref<1x72xi32, #tpu.memory_space<vmem>>
    %dma_start3A_166 = tpu.memref_squeeze %dma_start3A_165 : memref<1x72xi32, #tpu.memory_space<vmem>> -> memref<72xi32, #tpu.memory_space<vmem>>
    %dma_start3A_167 = arith.constant 0 : i32
    %dma_start3A_168 = tpu.memref_slice %arg4[%add3A, %dma_start3A_153, %dma_start3A_167] : memref<32x139x72xi32, #tpu.memory_space<hbm>> -> memref<1x1x72xi32, #tpu.memory_space<hbm>>
    %dma_start3A_169 = tpu.memref_squeeze %dma_start3A_168 : memref<1x1x72xi32, #tpu.memory_space<hbm>> -> memref<72xi32, #tpu.memory_space<hbm>>
    tpu.enqueue_dma source(%dma_start3A_169 : memref<72xi32, #tpu.memory_space<hbm>>) target(%dma_start3A_166 : memref<72xi32, #tpu.memory_space<vmem>>) target_semaphore(%dma_start3A_163 : memref<!tpu.dma_semaphore, #tpu.memory_space<semaphore_mem>>)
    %dma_start3A_170 = arith.constant 5 : i32
    %dma_start3A_171 = arith.constant 5 : i32
    %dma_start3A_172 = arith.constant 5 : i32
    %dma_start3A_173 = arith.constant 0 : i32
    %dma_start3A_174 = tpu.memref_slice %arg6[%dma_start3A_171, %dma_start3A_173] : memref<6x72xi32, #tpu.memory_space<vmem>> -> memref<1x72xi32, #tpu.memory_space<vmem>>
    %dma_start3A_175 = tpu.memref_squeeze %dma_start3A_174 : memref<1x72xi32, #tpu.memory_space<vmem>> -> memref<72xi32, #tpu.memory_space<vmem>>
    %dma_start3A_176 = arith.constant 0 : i32
    %dma_start3A_177 = tpu.memref_slice %arg3[%add3A, %dma_start3A_170, %dma_start3A_176] : memref<32x139x72xi32, #tpu.memory_space<hbm>> -> memref<1x1x72xi32, #tpu.memory_space<hbm>>
    %dma_start3A_178 = tpu.memref_squeeze %dma_start3A_177 : memref<1x1x72xi32, #tpu.memory_space<hbm>> -> memref<72xi32, #tpu.memory_space<hbm>>
    %dma_start3A_179 = tpu.memref_slice %arg12[%dma_start3A_172] : memref<6x!tpu.dma_semaphore, #tpu.memory_space<semaphore_mem>> -> memref<1x!tpu.dma_semaphore, #tpu.memory_space<semaphore_mem>>
    %dma_start3A_180 = tpu.memref_squeeze %dma_start3A_179 : memref<1x!tpu.dma_semaphore, #tpu.memory_space<semaphore_mem>> -> memref<!tpu.dma_semaphore, #tpu.memory_space<semaphore_mem>>
    %dma_start3A_181 = arith.constant 0 : i32
    %dma_start3A_182 = tpu.memref_slice %arg6[%dma_start3A_171, %dma_start3A_181] : memref<6x72xi32, #tpu.memory_space<vmem>> -> memref<1x72xi32, #tpu.memory_space<vmem>>
    %dma_start3A_183 = tpu.memref_squeeze %dma_start3A_182 : memref<1x72xi32, #tpu.memory_space<vmem>> -> memref<72xi32, #tpu.memory_space<vmem>>
    %dma_start3A_184 = arith.constant 0 : i32
    %dma_start3A_185 = tpu.memref_slice %arg3[%add3A, %dma_start3A_170, %dma_start3A_184] : memref<32x139x72xi32, #tpu.memory_space<hbm>> -> memref<1x1x72xi32, #tpu.memory_space<hbm>>
    %dma_start3A_186 = tpu.memref_squeeze %dma_start3A_185 : memref<1x1x72xi32, #tpu.memory_space<hbm>> -> memref<72xi32, #tpu.memory_space<hbm>>
    tpu.enqueue_dma source(%dma_start3A_186 : memref<72xi32, #tpu.memory_space<hbm>>) target(%dma_start3A_183 : memref<72xi32, #tpu.memory_space<vmem>>) target_semaphore(%dma_start3A_180 : memref<!tpu.dma_semaphore, #tpu.memory_space<semaphore_mem>>)
    %dma_start3A_187 = arith.constant 5 : i32
    %dma_start3A_188 = arith.constant 5 : i32
    %dma_start3A_189 = arith.constant 5 : i32
    %dma_start3A_190 = arith.constant 0 : i32
    %dma_start3A_191 = tpu.memref_slice %arg7[%dma_start3A_188, %dma_start3A_190] : memref<6x72xi32, #tpu.memory_space<vmem>> -> memref<1x72xi32, #tpu.memory_space<vmem>>
    %dma_start3A_192 = tpu.memref_squeeze %dma_start3A_191 : memref<1x72xi32, #tpu.memory_space<vmem>> -> memref<72xi32, #tpu.memory_space<vmem>>
    %dma_start3A_193 = arith.constant 0 : i32
    %dma_start3A_194 = tpu.memref_slice %arg4[%add3A, %dma_start3A_187, %dma_start3A_193] : memref<32x139x72xi32, #tpu.memory_space<hbm>> -> memref<1x1x72xi32, #tpu.memory_space<hbm>>
    %dma_start3A_195 = tpu.memref_squeeze %dma_start3A_194 : memref<1x1x72xi32, #tpu.memory_space<hbm>> -> memref<72xi32, #tpu.memory_space<hbm>>
    %dma_start3A_196 = tpu.memref_slice %arg12[%dma_start3A_189] : memref<6x!tpu.dma_semaphore, #tpu.memory_space<semaphore_mem>> -> memref<1x!tpu.dma_semaphore, #tpu.memory_space<semaphore_mem>>
    %dma_start3A_197 = tpu.memref_squeeze %dma_start3A_196 : memref<1x!tpu.dma_semaphore, #tpu.memory_space<semaphore_mem>> -> memref<!tpu.dma_semaphore, #tpu.memory_space<semaphore_mem>>
    %dma_start3A_198 = arith.constant 0 : i32
    %dma_start3A_199 = tpu.memref_slice %arg7[%dma_start3A_188, %dma_start3A_198] : memref<6x72xi32, #tpu.memory_space<vmem>> -> memref<1x72xi32, #tpu.memory_space<vmem>>
    %dma_start3A_200 = tpu.memref_squeeze %dma_start3A_199 : memref<1x72xi32, #tpu.memory_space<vmem>> -> memref<72xi32, #tpu.memory_space<vmem>>
    %dma_start3A_201 = arith.constant 0 : i32
    %dma_start3A_202 = tpu.memref_slice %arg4[%add3A, %dma_start3A_187, %dma_start3A_201] : memref<32x139x72xi32, #tpu.memory_space<hbm>> -> memref<1x1x72xi32, #tpu.memory_space<hbm>>
    %dma_start3A_203 = tpu.memref_squeeze %dma_start3A_202 : memref<1x1x72xi32, #tpu.memory_space<hbm>> -> memref<72xi32, #tpu.memory_space<hbm>>
    tpu.enqueue_dma source(%dma_start3A_203 : memref<72xi32, #tpu.memory_space<hbm>>) target(%dma_start3A_200 : memref<72xi32, #tpu.memory_space<vmem>>) target_semaphore(%dma_start3A_197 : memref<!tpu.dma_semaphore, #tpu.memory_space<semaphore_mem>>)
    %mul3A_204 = arith.constant 624 : i32
    %mul3A_205 = arith.muli %arg1, %mul3A_204 : i32
    "tpu.region"() ({
      %run_scoped3A = tpu.sem_alloc : memref<!tpu.dma_semaphore, #tpu.memory_space<semaphore_mem>>
      %dma_start3A_488 = arith.constant 0 : i32
      %dma_start3A_489 = tpu.memref_slice %arg9[%mul3A_205, %dma_start3A_488] : memref<10008x128xf32, #tpu.memory_space<vmem_shared>> -> memref<624x128xf32, #tpu.memory_space<vmem_shared>>
      %dma_start3A_490 = arith.constant 0 : i32
      %dma_start3A_491 = tpu.memref_slice %arg2[%mul3A_205, %dma_start3A_490] : memref<10000x128xf32, #tpu.memory_space<hbm>> -> memref<624x128xf32, #tpu.memory_space<hbm>>
      tpu.enqueue_dma source(%dma_start3A_491 : memref<624x128xf32, #tpu.memory_space<hbm>>) target(%dma_start3A_489 : memref<624x128xf32, #tpu.memory_space<vmem_shared>>) target_semaphore(%run_scoped3A : memref<!tpu.dma_semaphore, #tpu.memory_space<semaphore_mem>>)
      %dma_wait3A_492 = arith.constant 0 : i32
      %dma_wait3A_493 = tpu.memref_slice %arg9[%mul3A_205, %dma_wait3A_492] : memref<10008x128xf32, #tpu.memory_space<vmem_shared>> -> memref<624x128xf32, #tpu.memory_space<vmem_shared>>
      %dma_wait3A_494 = arith.constant 0 : i32
      %dma_wait3A_495 = tpu.memref_slice %arg2[%mul3A_205, %dma_wait3A_494] : memref<10000x128xf32, #tpu.memory_space<hbm>> -> memref<624x128xf32, #tpu.memory_space<hbm>>
      tpu.wait_dma2 semaphore(%run_scoped3A : memref<!tpu.dma_semaphore, #tpu.memory_space<semaphore_mem>>) src(%dma_wait3A_495 : memref<624x128xf32, #tpu.memory_space<hbm>>) dst(%dma_wait3A_493 : memref<624x128xf32, #tpu.memory_space<vmem_shared>>)
      tpu.yield
    }) : () -> ()
    %eq3A = arith.constant 15 : i32
    %eq3A_206 = arith.cmpi eq, %arg1, %eq3A : i32
    %convert_element_type3A = arith.extui %eq3A_206 : i1 to i32
    %cond3A = arith.constant 0 : i32
    %cond3A_207 = arith.cmpi ne, %convert_element_type3A, %cond3A : i32
    scf.if %cond3A_207 {
      "tpu.region"() ({
        %run_scoped3A = tpu.sem_alloc : memref<!tpu.dma_semaphore, #tpu.memory_space<semaphore_mem>>
        %dma_start3A_488 = arith.constant 9984 : i32
        %dma_start3A_489 = arith.constant 0 : i32
        %dma_start3A_490 = tpu.memref_slice %arg9[%dma_start3A_488, %dma_start3A_489] : memref<10008x128xf32, #tpu.memory_space<vmem_shared>> -> memref<16x128xf32, #tpu.memory_space<vmem_shared>>
        %dma_start3A_491 = arith.constant 9984 : i32
        %dma_start3A_492 = arith.constant 0 : i32
        %dma_start3A_493 = tpu.memref_slice %arg2[%dma_start3A_491, %dma_start3A_492] : memref<10000x128xf32, #tpu.memory_space<hbm>> -> memref<16x128xf32, #tpu.memory_space<hbm>>
        tpu.enqueue_dma source(%dma_start3A_493 : memref<16x128xf32, #tpu.memory_space<hbm>>) target(%dma_start3A_490 : memref<16x128xf32, #tpu.memory_space<vmem_shared>>) target_semaphore(%run_scoped3A : memref<!tpu.dma_semaphore, #tpu.memory_space<semaphore_mem>>)
        %dma_wait3A_494 = arith.constant 9984 : i32
        %dma_wait3A_495 = arith.constant 0 : i32
        %dma_wait3A_496 = tpu.memref_slice %arg9[%dma_wait3A_494, %dma_wait3A_495] : memref<10008x128xf32, #tpu.memory_space<vmem_shared>> -> memref<16x128xf32, #tpu.memory_space<vmem_shared>>
        %dma_wait3A_497 = arith.constant 9984 : i32
        %dma_wait3A_498 = arith.constant 0 : i32
        %dma_wait3A_499 = tpu.memref_slice %arg2[%dma_wait3A_497, %dma_wait3A_498] : memref<10000x128xf32, #tpu.memory_space<hbm>> -> memref<16x128xf32, #tpu.memory_space<hbm>>
        tpu.wait_dma2 semaphore(%run_scoped3A : memref<!tpu.dma_semaphore, #tpu.memory_space<semaphore_mem>>) src(%dma_wait3A_499 : memref<16x128xf32, #tpu.memory_space<hbm>>) dst(%dma_wait3A_496 : memref<16x128xf32, #tpu.memory_space<vmem_shared>>)
        tpu.yield
      }) : () -> ()
    } else {
    }
    %barrier3A = arith.constant 0 : index
    tpu.barrier barrier_id(%barrier3A)
    %dma_wait3A = arith.constant 0 : i32
    %dma_wait3A_208 = arith.constant 0 : i32
    %dma_wait3A_209 = arith.constant 0 : i32
    %dma_wait3A_210 = arith.constant 0 : i32
    %dma_wait3A_211 = tpu.memref_slice %arg6[%dma_wait3A_208, %dma_wait3A_210] : memref<6x72xi32, #tpu.memory_space<vmem>> -> memref<1x72xi32, #tpu.memory_space<vmem>>
    %dma_wait3A_212 = tpu.memref_squeeze %dma_wait3A_211 : memref<1x72xi32, #tpu.memory_space<vmem>> -> memref<72xi32, #tpu.memory_space<vmem>>
    %dma_wait3A_213 = arith.constant 0 : i32
    %dma_wait3A_214 = tpu.memref_slice %arg3[%add3A, %dma_wait3A, %dma_wait3A_213] : memref<32x139x72xi32, #tpu.memory_space<hbm>> -> memref<1x1x72xi32, #tpu.memory_space<hbm>>
    %dma_wait3A_215 = tpu.memref_squeeze %dma_wait3A_214 : memref<1x1x72xi32, #tpu.memory_space<hbm>> -> memref<72xi32, #tpu.memory_space<hbm>>
    %dma_wait3A_216 = tpu.memref_slice %arg12[%dma_wait3A_209] : memref<6x!tpu.dma_semaphore, #tpu.memory_space<semaphore_mem>> -> memref<1x!tpu.dma_semaphore, #tpu.memory_space<semaphore_mem>>
    %dma_wait3A_217 = tpu.memref_squeeze %dma_wait3A_216 : memref<1x!tpu.dma_semaphore, #tpu.memory_space<semaphore_mem>> -> memref<!tpu.dma_semaphore, #tpu.memory_space<semaphore_mem>>
    %dma_wait3A_218 = arith.constant 0 : i32
    %dma_wait3A_219 = tpu.memref_slice %arg6[%dma_wait3A_208, %dma_wait3A_218] : memref<6x72xi32, #tpu.memory_space<vmem>> -> memref<1x72xi32, #tpu.memory_space<vmem>>
    %dma_wait3A_220 = tpu.memref_squeeze %dma_wait3A_219 : memref<1x72xi32, #tpu.memory_space<vmem>> -> memref<72xi32, #tpu.memory_space<vmem>>
    %dma_wait3A_221 = arith.constant 0 : i32
    %dma_wait3A_222 = tpu.memref_slice %arg3[%add3A, %dma_wait3A, %dma_wait3A_221] : memref<32x139x72xi32, #tpu.memory_space<hbm>> -> memref<1x1x72xi32, #tpu.memory_space<hbm>>
    %dma_wait3A_223 = tpu.memref_squeeze %dma_wait3A_222 : memref<1x1x72xi32, #tpu.memory_space<hbm>> -> memref<72xi32, #tpu.memory_space<hbm>>
    tpu.wait_dma2 semaphore(%dma_wait3A_217 : memref<!tpu.dma_semaphore, #tpu.memory_space<semaphore_mem>>) src(%dma_wait3A_223 : memref<72xi32, #tpu.memory_space<hbm>>) dst(%dma_wait3A_220 : memref<72xi32, #tpu.memory_space<vmem>>)
    %dma_wait3A_224 = arith.constant 0 : i32
    %dma_wait3A_225 = arith.constant 0 : i32
    %dma_wait3A_226 = arith.constant 0 : i32
    %dma_wait3A_227 = arith.constant 0 : i32
    %dma_wait3A_228 = tpu.memref_slice %arg7[%dma_wait3A_225, %dma_wait3A_227] : memref<6x72xi32, #tpu.memory_space<vmem>> -> memref<1x72xi32, #tpu.memory_space<vmem>>
    %dma_wait3A_229 = tpu.memref_squeeze %dma_wait3A_228 : memref<1x72xi32, #tpu.memory_space<vmem>> -> memref<72xi32, #tpu.memory_space<vmem>>
    %dma_wait3A_230 = arith.constant 0 : i32
    %dma_wait3A_231 = tpu.memref_slice %arg4[%add3A, %dma_wait3A_224, %dma_wait3A_230] : memref<32x139x72xi32, #tpu.memory_space<hbm>> -> memref<1x1x72xi32, #tpu.memory_space<hbm>>
    %dma_wait3A_232 = tpu.memref_squeeze %dma_wait3A_231 : memref<1x1x72xi32, #tpu.memory_space<hbm>> -> memref<72xi32, #tpu.memory_space<hbm>>
    %dma_wait3A_233 = tpu.memref_slice %arg12[%dma_wait3A_226] : memref<6x!tpu.dma_semaphore, #tpu.memory_space<semaphore_mem>> -> memref<1x!tpu.dma_semaphore, #tpu.memory_space<semaphore_mem>>
    %dma_wait3A_234 = tpu.memref_squeeze %dma_wait3A_233 : memref<1x!tpu.dma_semaphore, #tpu.memory_space<semaphore_mem>> -> memref<!tpu.dma_semaphore, #tpu.memory_space<semaphore_mem>>
    %dma_wait3A_235 = arith.constant 0 : i32
    %dma_wait3A_236 = tpu.memref_slice %arg7[%dma_wait3A_225, %dma_wait3A_235] : memref<6x72xi32, #tpu.memory_space<vmem>> -> memref<1x72xi32, #tpu.memory_space<vmem>>
    %dma_wait3A_237 = tpu.memref_squeeze %dma_wait3A_236 : memref<1x72xi32, #tpu.memory_space<vmem>> -> memref<72xi32, #tpu.memory_space<vmem>>
    %dma_wait3A_238 = arith.constant 0 : i32
    %dma_wait3A_239 = tpu.memref_slice %arg4[%add3A, %dma_wait3A_224, %dma_wait3A_238] : memref<32x139x72xi32, #tpu.memory_space<hbm>> -> memref<1x1x72xi32, #tpu.memory_space<hbm>>
    %dma_wait3A_240 = tpu.memref_squeeze %dma_wait3A_239 : memref<1x1x72xi32, #tpu.memory_space<hbm>> -> memref<72xi32, #tpu.memory_space<hbm>>
    tpu.wait_dma2 semaphore(%dma_wait3A_234 : memref<!tpu.dma_semaphore, #tpu.memory_space<semaphore_mem>>) src(%dma_wait3A_240 : memref<72xi32, #tpu.memory_space<hbm>>) dst(%dma_wait3A_237 : memref<72xi32, #tpu.memory_space<vmem>>)
    %dma_start3A_241 = arith.constant 0 : i32
    %dma_start3A_242 = arith.constant 0 : i32
    %dma_start3A_243 = arith.constant 0 : i32
    %dma_start3A_244 = arith.constant 0 : i32
    %dma_start3A_245 = arith.constant 0 : i32
    %dma_start3A_246 = tpu.memref_slice %arg8[%dma_start3A_242, %dma_start3A_244, %dma_start3A_245] : memref<5x72x128xf32, #tpu.memory_space<vmem>> -> memref<1x72x128xf32, #tpu.memory_space<vmem>>
    %dma_start3A_247 = tpu.memref_squeeze %dma_start3A_246 : memref<1x72x128xf32, #tpu.memory_space<vmem>> -> memref<72x128xf32, #tpu.memory_space<vmem>>
    %dma_start3A_248 = arith.constant 0 : i32
    %dma_start3A_249 = tpu.memref_slice %arg6[%dma_start3A_241, %dma_start3A_248] : memref<6x72xi32, #tpu.memory_space<vmem>> -> memref<1x72xi32, #tpu.memory_space<vmem>>
    %dma_start3A_250 = tpu.memref_squeeze %dma_start3A_249 : memref<1x72xi32, #tpu.memory_space<vmem>> -> memref<72xi32, #tpu.memory_space<vmem>>
    %dma_start3A_251 = arith.constant 0 : i32
    %dma_start3A_252 = arith.constant 0 : i32
    %dma_start3A_253 = tpu.memref_slice %arg2[%dma_start3A_251, %dma_start3A_252] : memref<10000x128xf32, #tpu.memory_space<hbm>> -> memref<10000x128xf32, #tpu.memory_space<hbm>>
    %dma_start3A_254 = tpu.memref_slice %arg10[%dma_start3A_243] : memref<5x!tpu.dma_semaphore, #tpu.memory_space<semaphore_mem>> -> memref<1x!tpu.dma_semaphore, #tpu.memory_space<semaphore_mem>>
    %dma_start3A_255 = tpu.memref_squeeze %dma_start3A_254 : memref<1x!tpu.dma_semaphore, #tpu.memory_space<semaphore_mem>> -> memref<!tpu.dma_semaphore, #tpu.memory_space<semaphore_mem>>
    tpu.enqueue_indirect_dma source(%dma_start3A_253 : memref<10000x128xf32, #tpu.memory_space<hbm>>) target(%dma_start3A_247 : memref<72x128xf32, #tpu.memory_space<vmem>>) offsets(%dma_start3A_250 : memref<72xi32, #tpu.memory_space<vmem>>) semaphore(%dma_start3A_255 : memref<!tpu.dma_semaphore, #tpu.memory_space<semaphore_mem>>)
    %dma_wait3A_256 = arith.constant 1 : i32
    %dma_wait3A_257 = arith.constant 1 : i32
    %dma_wait3A_258 = arith.constant 1 : i32
    %dma_wait3A_259 = arith.constant 0 : i32
    %dma_wait3A_260 = tpu.memref_slice %arg6[%dma_wait3A_257, %dma_wait3A_259] : memref<6x72xi32, #tpu.memory_space<vmem>> -> memref<1x72xi32, #tpu.memory_space<vmem>>
    %dma_wait3A_261 = tpu.memref_squeeze %dma_wait3A_260 : memref<1x72xi32, #tpu.memory_space<vmem>> -> memref<72xi32, #tpu.memory_space<vmem>>
    %dma_wait3A_262 = arith.constant 0 : i32
    %dma_wait3A_263 = tpu.memref_slice %arg3[%add3A, %dma_wait3A_256, %dma_wait3A_262] : memref<32x139x72xi32, #tpu.memory_space<hbm>> -> memref<1x1x72xi32, #tpu.memory_space<hbm>>
    %dma_wait3A_264 = tpu.memref_squeeze %dma_wait3A_263 : memref<1x1x72xi32, #tpu.memory_space<hbm>> -> memref<72xi32, #tpu.memory_space<hbm>>
    %dma_wait3A_265 = tpu.memref_slice %arg12[%dma_wait3A_258] : memref<6x!tpu.dma_semaphore, #tpu.memory_space<semaphore_mem>> -> memref<1x!tpu.dma_semaphore, #tpu.memory_space<semaphore_mem>>
    %dma_wait3A_266 = tpu.memref_squeeze %dma_wait3A_265 : memref<1x!tpu.dma_semaphore, #tpu.memory_space<semaphore_mem>> -> memref<!tpu.dma_semaphore, #tpu.memory_space<semaphore_mem>>
    %dma_wait3A_267 = arith.constant 0 : i32
    %dma_wait3A_268 = tpu.memref_slice %arg6[%dma_wait3A_257, %dma_wait3A_267] : memref<6x72xi32, #tpu.memory_space<vmem>> -> memref<1x72xi32, #tpu.memory_space<vmem>>
    %dma_wait3A_269 = tpu.memref_squeeze %dma_wait3A_268 : memref<1x72xi32, #tpu.memory_space<vmem>> -> memref<72xi32, #tpu.memory_space<vmem>>
    %dma_wait3A_270 = arith.constant 0 : i32
    %dma_wait3A_271 = tpu.memref_slice %arg3[%add3A, %dma_wait3A_256, %dma_wait3A_270] : memref<32x139x72xi32, #tpu.memory_space<hbm>> -> memref<1x1x72xi32, #tpu.memory_space<hbm>>
    %dma_wait3A_272 = tpu.memref_squeeze %dma_wait3A_271 : memref<1x1x72xi32, #tpu.memory_space<hbm>> -> memref<72xi32, #tpu.memory_space<hbm>>
    tpu.wait_dma2 semaphore(%dma_wait3A_266 : memref<!tpu.dma_semaphore, #tpu.memory_space<semaphore_mem>>) src(%dma_wait3A_272 : memref<72xi32, #tpu.memory_space<hbm>>) dst(%dma_wait3A_269 : memref<72xi32, #tpu.memory_space<vmem>>)
    %dma_wait3A_273 = arith.constant 1 : i32
    %dma_wait3A_274 = arith.constant 1 : i32
    %dma_wait3A_275 = arith.constant 1 : i32
    %dma_wait3A_276 = arith.constant 0 : i32
    %dma_wait3A_277 = tpu.memref_slice %arg7[%dma_wait3A_274, %dma_wait3A_276] : memref<6x72xi32, #tpu.memory_space<vmem>> -> memref<1x72xi32, #tpu.memory_space<vmem>>
    %dma_wait3A_278 = tpu.memref_squeeze %dma_wait3A_277 : memref<1x72xi32, #tpu.memory_space<vmem>> -> memref<72xi32, #tpu.memory_space<vmem>>
    %dma_wait3A_279 = arith.constant 0 : i32
    %dma_wait3A_280 = tpu.memref_slice %arg4[%add3A, %dma_wait3A_273, %dma_wait3A_279] : memref<32x139x72xi32, #tpu.memory_space<hbm>> -> memref<1x1x72xi32, #tpu.memory_space<hbm>>
    %dma_wait3A_281 = tpu.memref_squeeze %dma_wait3A_280 : memref<1x1x72xi32, #tpu.memory_space<hbm>> -> memref<72xi32, #tpu.memory_space<hbm>>
    %dma_wait3A_282 = tpu.memref_slice %arg12[%dma_wait3A_275] : memref<6x!tpu.dma_semaphore, #tpu.memory_space<semaphore_mem>> -> memref<1x!tpu.dma_semaphore, #tpu.memory_space<semaphore_mem>>
    %dma_wait3A_283 = tpu.memref_squeeze %dma_wait3A_282 : memref<1x!tpu.dma_semaphore, #tpu.memory_space<semaphore_mem>> -> memref<!tpu.dma_semaphore, #tpu.memory_space<semaphore_mem>>
    %dma_wait3A_284 = arith.constant 0 : i32
    %dma_wait3A_285 = tpu.memref_slice %arg7[%dma_wait3A_274, %dma_wait3A_284] : memref<6x72xi32, #tpu.memory_space<vmem>> -> memref<1x72xi32, #tpu.memory_space<vmem>>
    %dma_wait3A_286 = tpu.memref_squeeze %dma_wait3A_285 : memref<1x72xi32, #tpu.memory_space<vmem>> -> memref<72xi32, #tpu.memory_space<vmem>>
    %dma_wait3A_287 = arith.constant 0 : i32
    %dma_wait3A_288 = tpu.memref_slice %arg4[%add3A, %dma_wait3A_273, %dma_wait3A_287] : memref<32x139x72xi32, #tpu.memory_space<hbm>> -> memref<1x1x72xi32, #tpu.memory_space<hbm>>
    %dma_wait3A_289 = tpu.memref_squeeze %dma_wait3A_288 : memref<1x1x72xi32, #tpu.memory_space<hbm>> -> memref<72xi32, #tpu.memory_space<hbm>>
    tpu.wait_dma2 semaphore(%dma_wait3A_283 : memref<!tpu.dma_semaphore, #tpu.memory_space<semaphore_mem>>) src(%dma_wait3A_289 : memref<72xi32, #tpu.memory_space<hbm>>) dst(%dma_wait3A_286 : memref<72xi32, #tpu.memory_space<vmem>>)
    %dma_start3A_290 = arith.constant 1 : i32
    %dma_start3A_291 = arith.constant 1 : i32
    %dma_start3A_292 = arith.constant 1 : i32
    %dma_start3A_293 = arith.constant 0 : i32
    %dma_start3A_294 = arith.constant 0 : i32
    %dma_start3A_295 = tpu.memref_slice %arg8[%dma_start3A_291, %dma_start3A_293, %dma_start3A_294] : memref<5x72x128xf32, #tpu.memory_space<vmem>> -> memref<1x72x128xf32, #tpu.memory_space<vmem>>
    %dma_start3A_296 = tpu.memref_squeeze %dma_start3A_295 : memref<1x72x128xf32, #tpu.memory_space<vmem>> -> memref<72x128xf32, #tpu.memory_space<vmem>>
    %dma_start3A_297 = arith.constant 0 : i32
    %dma_start3A_298 = tpu.memref_slice %arg6[%dma_start3A_290, %dma_start3A_297] : memref<6x72xi32, #tpu.memory_space<vmem>> -> memref<1x72xi32, #tpu.memory_space<vmem>>
    %dma_start3A_299 = tpu.memref_squeeze %dma_start3A_298 : memref<1x72xi32, #tpu.memory_space<vmem>> -> memref<72xi32, #tpu.memory_space<vmem>>
    %dma_start3A_300 = arith.constant 0 : i32
    %dma_start3A_301 = arith.constant 0 : i32
    %dma_start3A_302 = tpu.memref_slice %arg2[%dma_start3A_300, %dma_start3A_301] : memref<10000x128xf32, #tpu.memory_space<hbm>> -> memref<10000x128xf32, #tpu.memory_space<hbm>>
    %dma_start3A_303 = tpu.memref_slice %arg10[%dma_start3A_292] : memref<5x!tpu.dma_semaphore, #tpu.memory_space<semaphore_mem>> -> memref<1x!tpu.dma_semaphore, #tpu.memory_space<semaphore_mem>>
    %dma_start3A_304 = tpu.memref_squeeze %dma_start3A_303 : memref<1x!tpu.dma_semaphore, #tpu.memory_space<semaphore_mem>> -> memref<!tpu.dma_semaphore, #tpu.memory_space<semaphore_mem>>
    tpu.enqueue_indirect_dma source(%dma_start3A_302 : memref<10000x128xf32, #tpu.memory_space<hbm>>) target(%dma_start3A_296 : memref<72x128xf32, #tpu.memory_space<vmem>>) offsets(%dma_start3A_299 : memref<72xi32, #tpu.memory_space<vmem>>) semaphore(%dma_start3A_304 : memref<!tpu.dma_semaphore, #tpu.memory_space<semaphore_mem>>)
    %dma_wait3A_305 = arith.constant 2 : i32
    %dma_wait3A_306 = arith.constant 2 : i32
    %dma_wait3A_307 = arith.constant 2 : i32
    %dma_wait3A_308 = arith.constant 0 : i32
    %dma_wait3A_309 = tpu.memref_slice %arg6[%dma_wait3A_306, %dma_wait3A_308] : memref<6x72xi32, #tpu.memory_space<vmem>> -> memref<1x72xi32, #tpu.memory_space<vmem>>
    %dma_wait3A_310 = tpu.memref_squeeze %dma_wait3A_309 : memref<1x72xi32, #tpu.memory_space<vmem>> -> memref<72xi32, #tpu.memory_space<vmem>>
    %dma_wait3A_311 = arith.constant 0 : i32
    %dma_wait3A_312 = tpu.memref_slice %arg3[%add3A, %dma_wait3A_305, %dma_wait3A_311] : memref<32x139x72xi32, #tpu.memory_space<hbm>> -> memref<1x1x72xi32, #tpu.memory_space<hbm>>
    %dma_wait3A_313 = tpu.memref_squeeze %dma_wait3A_312 : memref<1x1x72xi32, #tpu.memory_space<hbm>> -> memref<72xi32, #tpu.memory_space<hbm>>
    %dma_wait3A_314 = tpu.memref_slice %arg12[%dma_wait3A_307] : memref<6x!tpu.dma_semaphore, #tpu.memory_space<semaphore_mem>> -> memref<1x!tpu.dma_semaphore, #tpu.memory_space<semaphore_mem>>
    %dma_wait3A_315 = tpu.memref_squeeze %dma_wait3A_314 : memref<1x!tpu.dma_semaphore, #tpu.memory_space<semaphore_mem>> -> memref<!tpu.dma_semaphore, #tpu.memory_space<semaphore_mem>>
    %dma_wait3A_316 = arith.constant 0 : i32
    %dma_wait3A_317 = tpu.memref_slice %arg6[%dma_wait3A_306, %dma_wait3A_316] : memref<6x72xi32, #tpu.memory_space<vmem>> -> memref<1x72xi32, #tpu.memory_space<vmem>>
    %dma_wait3A_318 = tpu.memref_squeeze %dma_wait3A_317 : memref<1x72xi32, #tpu.memory_space<vmem>> -> memref<72xi32, #tpu.memory_space<vmem>>
    %dma_wait3A_319 = arith.constant 0 : i32
    %dma_wait3A_320 = tpu.memref_slice %arg3[%add3A, %dma_wait3A_305, %dma_wait3A_319] : memref<32x139x72xi32, #tpu.memory_space<hbm>> -> memref<1x1x72xi32, #tpu.memory_space<hbm>>
    %dma_wait3A_321 = tpu.memref_squeeze %dma_wait3A_320 : memref<1x1x72xi32, #tpu.memory_space<hbm>> -> memref<72xi32, #tpu.memory_space<hbm>>
    tpu.wait_dma2 semaphore(%dma_wait3A_315 : memref<!tpu.dma_semaphore, #tpu.memory_space<semaphore_mem>>) src(%dma_wait3A_321 : memref<72xi32, #tpu.memory_space<hbm>>) dst(%dma_wait3A_318 : memref<72xi32, #tpu.memory_space<vmem>>)
    %dma_wait3A_322 = arith.constant 2 : i32
    %dma_wait3A_323 = arith.constant 2 : i32
    %dma_wait3A_324 = arith.constant 2 : i32
    %dma_wait3A_325 = arith.constant 0 : i32
    %dma_wait3A_326 = tpu.memref_slice %arg7[%dma_wait3A_323, %dma_wait3A_325] : memref<6x72xi32, #tpu.memory_space<vmem>> -> memref<1x72xi32, #tpu.memory_space<vmem>>
    %dma_wait3A_327 = tpu.memref_squeeze %dma_wait3A_326 : memref<1x72xi32, #tpu.memory_space<vmem>> -> memref<72xi32, #tpu.memory_space<vmem>>
    %dma_wait3A_328 = arith.constant 0 : i32
    %dma_wait3A_329 = tpu.memref_slice %arg4[%add3A, %dma_wait3A_322, %dma_wait3A_328] : memref<32x139x72xi32, #tpu.memory_space<hbm>> -> memref<1x1x72xi32, #tpu.memory_space<hbm>>
    %dma_wait3A_330 = tpu.memref_squeeze %dma_wait3A_329 : memref<1x1x72xi32, #tpu.memory_space<hbm>> -> memref<72xi32, #tpu.memory_space<hbm>>
    %dma_wait3A_331 = tpu.memref_slice %arg12[%dma_wait3A_324] : memref<6x!tpu.dma_semaphore, #tpu.memory_space<semaphore_mem>> -> memref<1x!tpu.dma_semaphore, #tpu.memory_space<semaphore_mem>>
    %dma_wait3A_332 = tpu.memref_squeeze %dma_wait3A_331 : memref<1x!tpu.dma_semaphore, #tpu.memory_space<semaphore_mem>> -> memref<!tpu.dma_semaphore, #tpu.memory_space<semaphore_mem>>
    %dma_wait3A_333 = arith.constant 0 : i32
    %dma_wait3A_334 = tpu.memref_slice %arg7[%dma_wait3A_323, %dma_wait3A_333] : memref<6x72xi32, #tpu.memory_space<vmem>> -> memref<1x72xi32, #tpu.memory_space<vmem>>
    %dma_wait3A_335 = tpu.memref_squeeze %dma_wait3A_334 : memref<1x72xi32, #tpu.memory_space<vmem>> -> memref<72xi32, #tpu.memory_space<vmem>>
    %dma_wait3A_336 = arith.constant 0 : i32
    %dma_wait3A_337 = tpu.memref_slice %arg4[%add3A, %dma_wait3A_322, %dma_wait3A_336] : memref<32x139x72xi32, #tpu.memory_space<hbm>> -> memref<1x1x72xi32, #tpu.memory_space<hbm>>
    %dma_wait3A_338 = tpu.memref_squeeze %dma_wait3A_337 : memref<1x1x72xi32, #tpu.memory_space<hbm>> -> memref<72xi32, #tpu.memory_space<hbm>>
    tpu.wait_dma2 semaphore(%dma_wait3A_332 : memref<!tpu.dma_semaphore, #tpu.memory_space<semaphore_mem>>) src(%dma_wait3A_338 : memref<72xi32, #tpu.memory_space<hbm>>) dst(%dma_wait3A_335 : memref<72xi32, #tpu.memory_space<vmem>>)
    %dma_start3A_339 = arith.constant 2 : i32
    %dma_start3A_340 = arith.constant 2 : i32
    %dma_start3A_341 = arith.constant 2 : i32
    %dma_start3A_342 = arith.constant 0 : i32
    %dma_start3A_343 = arith.constant 0 : i32
    %dma_start3A_344 = tpu.memref_slice %arg8[%dma_start3A_340, %dma_start3A_342, %dma_start3A_343] : memref<5x72x128xf32, #tpu.memory_space<vmem>> -> memref<1x72x128xf32, #tpu.memory_space<vmem>>
    %dma_start3A_345 = tpu.memref_squeeze %dma_start3A_344 : memref<1x72x128xf32, #tpu.memory_space<vmem>> -> memref<72x128xf32, #tpu.memory_space<vmem>>
    %dma_start3A_346 = arith.constant 0 : i32
    %dma_start3A_347 = tpu.memref_slice %arg6[%dma_start3A_339, %dma_start3A_346] : memref<6x72xi32, #tpu.memory_space<vmem>> -> memref<1x72xi32, #tpu.memory_space<vmem>>
    %dma_start3A_348 = tpu.memref_squeeze %dma_start3A_347 : memref<1x72xi32, #tpu.memory_space<vmem>> -> memref<72xi32, #tpu.memory_space<vmem>>
    %dma_start3A_349 = arith.constant 0 : i32
    %dma_start3A_350 = arith.constant 0 : i32
    %dma_start3A_351 = tpu.memref_slice %arg2[%dma_start3A_349, %dma_start3A_350] : memref<10000x128xf32, #tpu.memory_space<hbm>> -> memref<10000x128xf32, #tpu.memory_space<hbm>>
    %dma_start3A_352 = tpu.memref_slice %arg10[%dma_start3A_341] : memref<5x!tpu.dma_semaphore, #tpu.memory_space<semaphore_mem>> -> memref<1x!tpu.dma_semaphore, #tpu.memory_space<semaphore_mem>>
    %dma_start3A_353 = tpu.memref_squeeze %dma_start3A_352 : memref<1x!tpu.dma_semaphore, #tpu.memory_space<semaphore_mem>> -> memref<!tpu.dma_semaphore, #tpu.memory_space<semaphore_mem>>
    tpu.enqueue_indirect_dma source(%dma_start3A_351 : memref<10000x128xf32, #tpu.memory_space<hbm>>) target(%dma_start3A_345 : memref<72x128xf32, #tpu.memory_space<vmem>>) offsets(%dma_start3A_348 : memref<72xi32, #tpu.memory_space<vmem>>) semaphore(%dma_start3A_353 : memref<!tpu.dma_semaphore, #tpu.memory_space<semaphore_mem>>)
    %dma_wait3A_354 = arith.constant 3 : i32
    %dma_wait3A_355 = arith.constant 3 : i32
    %dma_wait3A_356 = arith.constant 3 : i32
    %dma_wait3A_357 = arith.constant 0 : i32
    %dma_wait3A_358 = tpu.memref_slice %arg6[%dma_wait3A_355, %dma_wait3A_357] : memref<6x72xi32, #tpu.memory_space<vmem>> -> memref<1x72xi32, #tpu.memory_space<vmem>>
    %dma_wait3A_359 = tpu.memref_squeeze %dma_wait3A_358 : memref<1x72xi32, #tpu.memory_space<vmem>> -> memref<72xi32, #tpu.memory_space<vmem>>
    %dma_wait3A_360 = arith.constant 0 : i32
    %dma_wait3A_361 = tpu.memref_slice %arg3[%add3A, %dma_wait3A_354, %dma_wait3A_360] : memref<32x139x72xi32, #tpu.memory_space<hbm>> -> memref<1x1x72xi32, #tpu.memory_space<hbm>>
    %dma_wait3A_362 = tpu.memref_squeeze %dma_wait3A_361 : memref<1x1x72xi32, #tpu.memory_space<hbm>> -> memref<72xi32, #tpu.memory_space<hbm>>
    %dma_wait3A_363 = tpu.memref_slice %arg12[%dma_wait3A_356] : memref<6x!tpu.dma_semaphore, #tpu.memory_space<semaphore_mem>> -> memref<1x!tpu.dma_semaphore, #tpu.memory_space<semaphore_mem>>
    %dma_wait3A_364 = tpu.memref_squeeze %dma_wait3A_363 : memref<1x!tpu.dma_semaphore, #tpu.memory_space<semaphore_mem>> -> memref<!tpu.dma_semaphore, #tpu.memory_space<semaphore_mem>>
    %dma_wait3A_365 = arith.constant 0 : i32
    %dma_wait3A_366 = tpu.memref_slice %arg6[%dma_wait3A_355, %dma_wait3A_365] : memref<6x72xi32, #tpu.memory_space<vmem>> -> memref<1x72xi32, #tpu.memory_space<vmem>>
    %dma_wait3A_367 = tpu.memref_squeeze %dma_wait3A_366 : memref<1x72xi32, #tpu.memory_space<vmem>> -> memref<72xi32, #tpu.memory_space<vmem>>
    %dma_wait3A_368 = arith.constant 0 : i32
    %dma_wait3A_369 = tpu.memref_slice %arg3[%add3A, %dma_wait3A_354, %dma_wait3A_368] : memref<32x139x72xi32, #tpu.memory_space<hbm>> -> memref<1x1x72xi32, #tpu.memory_space<hbm>>
    %dma_wait3A_370 = tpu.memref_squeeze %dma_wait3A_369 : memref<1x1x72xi32, #tpu.memory_space<hbm>> -> memref<72xi32, #tpu.memory_space<hbm>>
    tpu.wait_dma2 semaphore(%dma_wait3A_364 : memref<!tpu.dma_semaphore, #tpu.memory_space<semaphore_mem>>) src(%dma_wait3A_370 : memref<72xi32, #tpu.memory_space<hbm>>) dst(%dma_wait3A_367 : memref<72xi32, #tpu.memory_space<vmem>>)
    %dma_wait3A_371 = arith.constant 3 : i32
    %dma_wait3A_372 = arith.constant 3 : i32
    %dma_wait3A_373 = arith.constant 3 : i32
    %dma_wait3A_374 = arith.constant 0 : i32
    %dma_wait3A_375 = tpu.memref_slice %arg7[%dma_wait3A_372, %dma_wait3A_374] : memref<6x72xi32, #tpu.memory_space<vmem>> -> memref<1x72xi32, #tpu.memory_space<vmem>>
    %dma_wait3A_376 = tpu.memref_squeeze %dma_wait3A_375 : memref<1x72xi32, #tpu.memory_space<vmem>> -> memref<72xi32, #tpu.memory_space<vmem>>
    %dma_wait3A_377 = arith.constant 0 : i32
    %dma_wait3A_378 = tpu.memref_slice %arg4[%add3A, %dma_wait3A_371, %dma_wait3A_377] : memref<32x139x72xi32, #tpu.memory_space<hbm>> -> memref<1x1x72xi32, #tpu.memory_space<hbm>>
    %dma_wait3A_379 = tpu.memref_squeeze %dma_wait3A_378 : memref<1x1x72xi32, #tpu.memory_space<hbm>> -> memref<72xi32, #tpu.memory_space<hbm>>
    %dma_wait3A_380 = tpu.memref_slice %arg12[%dma_wait3A_373] : memref<6x!tpu.dma_semaphore, #tpu.memory_space<semaphore_mem>> -> memref<1x!tpu.dma_semaphore, #tpu.memory_space<semaphore_mem>>
    %dma_wait3A_381 = tpu.memref_squeeze %dma_wait3A_380 : memref<1x!tpu.dma_semaphore, #tpu.memory_space<semaphore_mem>> -> memref<!tpu.dma_semaphore, #tpu.memory_space<semaphore_mem>>
    %dma_wait3A_382 = arith.constant 0 : i32
    %dma_wait3A_383 = tpu.memref_slice %arg7[%dma_wait3A_372, %dma_wait3A_382] : memref<6x72xi32, #tpu.memory_space<vmem>> -> memref<1x72xi32, #tpu.memory_space<vmem>>
    %dma_wait3A_384 = tpu.memref_squeeze %dma_wait3A_383 : memref<1x72xi32, #tpu.memory_space<vmem>> -> memref<72xi32, #tpu.memory_space<vmem>>
    %dma_wait3A_385 = arith.constant 0 : i32
    %dma_wait3A_386 = tpu.memref_slice %arg4[%add3A, %dma_wait3A_371, %dma_wait3A_385] : memref<32x139x72xi32, #tpu.memory_space<hbm>> -> memref<1x1x72xi32, #tpu.memory_space<hbm>>
    %dma_wait3A_387 = tpu.memref_squeeze %dma_wait3A_386 : memref<1x1x72xi32, #tpu.memory_space<hbm>> -> memref<72xi32, #tpu.memory_space<hbm>>
    tpu.wait_dma2 semaphore(%dma_wait3A_381 : memref<!tpu.dma_semaphore, #tpu.memory_space<semaphore_mem>>) src(%dma_wait3A_387 : memref<72xi32, #tpu.memory_space<hbm>>) dst(%dma_wait3A_384 : memref<72xi32, #tpu.memory_space<vmem>>)
    %dma_start3A_388 = arith.constant 3 : i32
    %dma_start3A_389 = arith.constant 3 : i32
    %dma_start3A_390 = arith.constant 3 : i32
    %dma_start3A_391 = arith.constant 0 : i32
    %dma_start3A_392 = arith.constant 0 : i32
    %dma_start3A_393 = tpu.memref_slice %arg8[%dma_start3A_389, %dma_start3A_391, %dma_start3A_392] : memref<5x72x128xf32, #tpu.memory_space<vmem>> -> memref<1x72x128xf32, #tpu.memory_space<vmem>>
    %dma_start3A_394 = tpu.memref_squeeze %dma_start3A_393 : memref<1x72x128xf32, #tpu.memory_space<vmem>> -> memref<72x128xf32, #tpu.memory_space<vmem>>
    %dma_start3A_395 = arith.constant 0 : i32
    %dma_start3A_396 = tpu.memref_slice %arg6[%dma_start3A_388, %dma_start3A_395] : memref<6x72xi32, #tpu.memory_space<vmem>> -> memref<1x72xi32, #tpu.memory_space<vmem>>
    %dma_start3A_397 = tpu.memref_squeeze %dma_start3A_396 : memref<1x72xi32, #tpu.memory_space<vmem>> -> memref<72xi32, #tpu.memory_space<vmem>>
    %dma_start3A_398 = arith.constant 0 : i32
    %dma_start3A_399 = arith.constant 0 : i32
    %dma_start3A_400 = tpu.memref_slice %arg2[%dma_start3A_398, %dma_start3A_399] : memref<10000x128xf32, #tpu.memory_space<hbm>> -> memref<10000x128xf32, #tpu.memory_space<hbm>>
    %dma_start3A_401 = tpu.memref_slice %arg10[%dma_start3A_390] : memref<5x!tpu.dma_semaphore, #tpu.memory_space<semaphore_mem>> -> memref<1x!tpu.dma_semaphore, #tpu.memory_space<semaphore_mem>>
    %dma_start3A_402 = tpu.memref_squeeze %dma_start3A_401 : memref<1x!tpu.dma_semaphore, #tpu.memory_space<semaphore_mem>> -> memref<!tpu.dma_semaphore, #tpu.memory_space<semaphore_mem>>
    tpu.enqueue_indirect_dma source(%dma_start3A_400 : memref<10000x128xf32, #tpu.memory_space<hbm>>) target(%dma_start3A_394 : memref<72x128xf32, #tpu.memory_space<vmem>>) offsets(%dma_start3A_397 : memref<72xi32, #tpu.memory_space<vmem>>) semaphore(%dma_start3A_402 : memref<!tpu.dma_semaphore, #tpu.memory_space<semaphore_mem>>)
    %scan3A = arith.constant 0 : i32
    %scan3A_403 = arith.constant 139 : i32
    %scan3A_404 = arith.addi %scan3A, %scan3A_403 : i32
    %scan3A_405 = arith.constant 1 : i32
    scf.for %scan3A_488 = %scan3A to %scan3A_404 step %scan3A_405  : i32 {
      %mul3A_489 = arith.constant 1 : i32
      %mul3A_490 = arith.muli %scan3A_488, %mul3A_489 : i32
      %add3A_491 = arith.constant 0 : i32
      %add3A_492 = arith.addi %add3A_491, %mul3A_490 : i32
      %jit3A = arith.constant 5 : i32
      %eq3A_493 = arith.constant 0 : i32
      %eq3A_494 = arith.cmpi eq, %jit3A, %eq3A_493 : i32
      %jit3A_495 = arith.constant 1 : i32
      %select_n3A = arith.select %eq3A_494, %jit3A_495, %jit3A : i32
      %rem3A = arith.remsi %add3A_492, %select_n3A : i32
      %ne3A = arith.constant 0 : i32
      %ne3A_496 = arith.cmpi ne, %rem3A, %ne3A : i32
      %lt3A = arith.constant 0 : i32
      %lt3A_497 = arith.cmpi slt, %rem3A, %lt3A : i32
      %lt3A_498 = arith.constant 0 : i32
      %lt3A_499 = arith.cmpi slt, %select_n3A, %lt3A_498 : i32
      %ne3A_500 = arith.xori %lt3A_497, %lt3A_499 : i1
      %and3A = arith.andi %ne3A_500, %ne3A_496 : i1
      %add3A_501 = arith.addi %rem3A, %select_n3A : i32
      %select_n3A_502 = arith.select %and3A, %add3A_501, %rem3A : i32
      %jit3A_503 = arith.constant 6 : i32
      %eq3A_504 = arith.constant 0 : i32
      %eq3A_505 = arith.cmpi eq, %jit3A_503, %eq3A_504 : i32
      %jit3A_506 = arith.constant 1 : i32
      %select_n3A_507 = arith.select %eq3A_505, %jit3A_506, %jit3A_503 : i32
      %rem3A_508 = arith.remsi %add3A_492, %select_n3A_507 : i32
      %ne3A_509 = arith.constant 0 : i32
      %ne3A_510 = arith.cmpi ne, %rem3A_508, %ne3A_509 : i32
      %lt3A_511 = arith.constant 0 : i32
      %lt3A_512 = arith.cmpi slt, %rem3A_508, %lt3A_511 : i32
      %lt3A_513 = arith.constant 0 : i32
      %lt3A_514 = arith.cmpi slt, %select_n3A_507, %lt3A_513 : i32
      %ne3A_515 = arith.xori %lt3A_512, %lt3A_514 : i1
      %and3A_516 = arith.andi %ne3A_515, %ne3A_510 : i1
      %add3A_517 = arith.addi %rem3A_508, %select_n3A_507 : i32
      %select_n3A_518 = arith.select %and3A_516, %add3A_517, %rem3A_508 : i32
      %dma_wait3A_519 = arith.constant 0 : i32
      %dma_wait3A_520 = arith.constant 0 : i32
      %dma_wait3A_521 = tpu.memref_slice %arg8[%select_n3A_502, %dma_wait3A_519, %dma_wait3A_520] : memref<5x72x128xf32, #tpu.memory_space<vmem>> -> memref<1x72x128xf32, #tpu.memory_space<vmem>>
      %dma_wait3A_522 = tpu.memref_squeeze %dma_wait3A_521 : memref<1x72x128xf32, #tpu.memory_space<vmem>> -> memref<72x128xf32, #tpu.memory_space<vmem>>
      %dma_wait3A_523 = arith.constant 0 : i32
      %dma_wait3A_524 = tpu.memref_slice %arg6[%select_n3A_518, %dma_wait3A_523] : memref<6x72xi32, #tpu.memory_space<vmem>> -> memref<1x72xi32, #tpu.memory_space<vmem>>
      %dma_wait3A_525 = tpu.memref_squeeze %dma_wait3A_524 : memref<1x72xi32, #tpu.memory_space<vmem>> -> memref<72xi32, #tpu.memory_space<vmem>>
      %dma_wait3A_526 = arith.constant 0 : i32
      %dma_wait3A_527 = arith.constant 0 : i32
      %dma_wait3A_528 = tpu.memref_slice %arg2[%dma_wait3A_526, %dma_wait3A_527] : memref<10000x128xf32, #tpu.memory_space<hbm>> -> memref<10000x128xf32, #tpu.memory_space<hbm>>
      %dma_wait3A_529 = tpu.memref_slice %arg10[%select_n3A_502] : memref<5x!tpu.dma_semaphore, #tpu.memory_space<semaphore_mem>> -> memref<1x!tpu.dma_semaphore, #tpu.memory_space<semaphore_mem>>
      %dma_wait3A_530 = tpu.memref_squeeze %dma_wait3A_529 : memref<1x!tpu.dma_semaphore, #tpu.memory_space<semaphore_mem>> -> memref<!tpu.dma_semaphore, #tpu.memory_space<semaphore_mem>>
      tpu.wait_indirect_dma semaphore(%dma_wait3A_530 : memref<!tpu.dma_semaphore, #tpu.memory_space<semaphore_mem>>) src(%dma_wait3A_528 : memref<10000x128xf32, #tpu.memory_space<hbm>>) dst(%dma_wait3A_522 : memref<72x128xf32, #tpu.memory_space<vmem>>)
      %jit3A_531 = arith.constant 6 : i32
      %eq3A_532 = arith.constant 0 : i32
      %eq3A_533 = arith.cmpi eq, %jit3A_531, %eq3A_532 : i32
      %jit3A_534 = arith.constant 1 : i32
      %select_n3A_535 = arith.select %eq3A_533, %jit3A_534, %jit3A_531 : i32
      %rem3A_536 = arith.remsi %add3A_492, %select_n3A_535 : i32
      %ne3A_537 = arith.constant 0 : i32
      %ne3A_538 = arith.cmpi ne, %rem3A_536, %ne3A_537 : i32
      %lt3A_539 = arith.constant 0 : i32
      %lt3A_540 = arith.cmpi slt, %rem3A_536, %lt3A_539 : i32
      %lt3A_541 = arith.constant 0 : i32
      %lt3A_542 = arith.cmpi slt, %select_n3A_535, %lt3A_541 : i32
      %ne3A_543 = arith.xori %lt3A_540, %lt3A_542 : i1
      %and3A_544 = arith.andi %ne3A_543, %ne3A_538 : i1
      %add3A_545 = arith.addi %rem3A_536, %select_n3A_535 : i32
      %select_n3A_546 = arith.select %and3A_544, %add3A_545, %rem3A_536 : i32
      %dma_start3A_547 = arith.constant 0 : i32
      %dma_start3A_548 = arith.constant 0 : i32
      %dma_start3A_549 = tpu.memref_slice %arg8[%select_n3A_502, %dma_start3A_547, %dma_start3A_548] : memref<5x72x128xf32, #tpu.memory_space<vmem>> -> memref<1x72x128xf32, #tpu.memory_space<vmem>>
      %dma_start3A_550 = tpu.memref_squeeze %dma_start3A_549 : memref<1x72x128xf32, #tpu.memory_space<vmem>> -> memref<72x128xf32, #tpu.memory_space<vmem>>
      %dma_start3A_551 = arith.constant 0 : i32
      %dma_start3A_552 = tpu.memref_slice %arg7[%select_n3A_546, %dma_start3A_551] : memref<6x72xi32, #tpu.memory_space<vmem>> -> memref<1x72xi32, #tpu.memory_space<vmem>>
      %dma_start3A_553 = tpu.memref_squeeze %dma_start3A_552 : memref<1x72xi32, #tpu.memory_space<vmem>> -> memref<72xi32, #tpu.memory_space<vmem>>
      %dma_start3A_554 = arith.constant 0 : i32
      %dma_start3A_555 = arith.constant 0 : i32
      %dma_start3A_556 = tpu.memref_slice %arg9[%dma_start3A_554, %dma_start3A_555] : memref<10008x128xf32, #tpu.memory_space<vmem_shared>> -> memref<10008x128xf32, #tpu.memory_space<vmem_shared>>
      %dma_start3A_557 = tpu.memref_slice %arg11[%select_n3A_502] : memref<5x!tpu.dma_semaphore, #tpu.memory_space<semaphore_mem>> -> memref<1x!tpu.dma_semaphore, #tpu.memory_space<semaphore_mem>>
      %dma_start3A_558 = tpu.memref_squeeze %dma_start3A_557 : memref<1x!tpu.dma_semaphore, #tpu.memory_space<semaphore_mem>> -> memref<!tpu.dma_semaphore, #tpu.memory_space<semaphore_mem>>
      tpu.enqueue_indirect_dma source(%dma_start3A_550 : memref<72x128xf32, #tpu.memory_space<vmem>>) target(%dma_start3A_556 : memref<10008x128xf32, #tpu.memory_space<vmem_shared>>) offsets(%dma_start3A_553 : memref<72xi32, #tpu.memory_space<vmem>>) semaphore(%dma_start3A_558 : memref<!tpu.dma_semaphore, #tpu.memory_space<semaphore_mem>>) {add = true}
      %add3A_559 = arith.constant 5 : i32
      %add3A_560 = arith.addi %add3A_492, %add3A_559 : i32
      %sub3A = arith.constant 1 : i32
      %sub3A_561 = arith.subi %add3A_560, %sub3A : i32
      %jit3A_562 = arith.constant 5 : i32
      %eq3A_563 = arith.constant 0 : i32
      %eq3A_564 = arith.cmpi eq, %jit3A_562, %eq3A_563 : i32
      %jit3A_565 = arith.constant 1 : i32
      %select_n3A_566 = arith.select %eq3A_564, %jit3A_565, %jit3A_562 : i32
      %rem3A_567 = arith.remsi %sub3A_561, %select_n3A_566 : i32
      %ne3A_568 = arith.constant 0 : i32
      %ne3A_569 = arith.cmpi ne, %rem3A_567, %ne3A_568 : i32
      %lt3A_570 = arith.constant 0 : i32
      %lt3A_571 = arith.cmpi slt, %rem3A_567, %lt3A_570 : i32
      %lt3A_572 = arith.constant 0 : i32
      %lt3A_573 = arith.cmpi slt, %select_n3A_566, %lt3A_572 : i32
      %ne3A_574 = arith.xori %lt3A_571, %lt3A_573 : i1
      %and3A_575 = arith.andi %ne3A_574, %ne3A_569 : i1
      %add3A_576 = arith.addi %rem3A_567, %select_n3A_566 : i32
      %select_n3A_577 = arith.select %and3A_575, %add3A_576, %rem3A_567 : i32
      %lt3A_578 = arith.constant 139 : i32
      %lt3A_579 = arith.cmpi slt, %sub3A_561, %lt3A_578 : i32
      %convert_element_type3A_580 = arith.extui %lt3A_579 : i1 to i32
      %cond3A_581 = arith.constant 0 : i32
      %cond3A_582 = arith.cmpi ne, %convert_element_type3A_580, %cond3A_581 : i32
      scf.if %cond3A_582 {
        %ge3A = arith.constant 1 : i32
        %ge3A_583 = arith.cmpi sge, %add3A_492, %ge3A : i32
        %convert_element_type3A_584 = arith.extui %ge3A_583 : i1 to i32
        %cond3A_585 = arith.constant 0 : i32
        %cond3A_586 = arith.cmpi ne, %convert_element_type3A_584, %cond3A_585 : i32
        scf.if %cond3A_586 {
          %dma_wait3A_669 = arith.constant 0 : i32
          %dma_wait3A_670 = arith.constant 0 : i32
          %dma_wait3A_671 = arith.constant 0 : i32
          %dma_wait3A_672 = tpu.memref_slice %arg8[%select_n3A_577, %dma_wait3A_670, %dma_wait3A_671] : memref<5x72x128xf32, #tpu.memory_space<vmem>> -> memref<1x72x128xf32, #tpu.memory_space<vmem>>
          %dma_wait3A_673 = tpu.memref_squeeze %dma_wait3A_672 : memref<1x72x128xf32, #tpu.memory_space<vmem>> -> memref<72x128xf32, #tpu.memory_space<vmem>>
          %dma_wait3A_674 = arith.constant 0 : i32
          %dma_wait3A_675 = tpu.memref_slice %arg7[%dma_wait3A_669, %dma_wait3A_674] : memref<6x72xi32, #tpu.memory_space<vmem>> -> memref<1x72xi32, #tpu.memory_space<vmem>>
          %dma_wait3A_676 = tpu.memref_squeeze %dma_wait3A_675 : memref<1x72xi32, #tpu.memory_space<vmem>> -> memref<72xi32, #tpu.memory_space<vmem>>
          %dma_wait3A_677 = arith.constant 0 : i32
          %dma_wait3A_678 = arith.constant 0 : i32
          %dma_wait3A_679 = tpu.memref_slice %arg9[%dma_wait3A_677, %dma_wait3A_678] : memref<10008x128xf32, #tpu.memory_space<vmem_shared>> -> memref<10008x128xf32, #tpu.memory_space<vmem_shared>>
          %dma_wait3A_680 = tpu.memref_slice %arg11[%select_n3A_577] : memref<5x!tpu.dma_semaphore, #tpu.memory_space<semaphore_mem>> -> memref<1x!tpu.dma_semaphore, #tpu.memory_space<semaphore_mem>>
          %dma_wait3A_681 = tpu.memref_squeeze %dma_wait3A_680 : memref<1x!tpu.dma_semaphore, #tpu.memory_space<semaphore_mem>> -> memref<!tpu.dma_semaphore, #tpu.memory_space<semaphore_mem>>
          tpu.wait_indirect_dma semaphore(%dma_wait3A_681 : memref<!tpu.dma_semaphore, #tpu.memory_space<semaphore_mem>>) src(%dma_wait3A_673 : memref<72x128xf32, #tpu.memory_space<vmem>>) dst(%dma_wait3A_679 : memref<10008x128xf32, #tpu.memory_space<vmem_shared>>)
        } else {
        }
        %jit3A_587 = arith.constant 6 : i32
        %eq3A_588 = arith.constant 0 : i32
        %eq3A_589 = arith.cmpi eq, %jit3A_587, %eq3A_588 : i32
        %jit3A_590 = arith.constant 1 : i32
        %select_n3A_591 = arith.select %eq3A_589, %jit3A_590, %jit3A_587 : i32
        %rem3A_592 = arith.remsi %sub3A_561, %select_n3A_591 : i32
        %ne3A_593 = arith.constant 0 : i32
        %ne3A_594 = arith.cmpi ne, %rem3A_592, %ne3A_593 : i32
        %lt3A_595 = arith.constant 0 : i32
        %lt3A_596 = arith.cmpi slt, %rem3A_592, %lt3A_595 : i32
        %lt3A_597 = arith.constant 0 : i32
        %lt3A_598 = arith.cmpi slt, %select_n3A_591, %lt3A_597 : i32
        %ne3A_599 = arith.xori %lt3A_596, %lt3A_598 : i1
        %and3A_600 = arith.andi %ne3A_599, %ne3A_594 : i1
        %add3A_601 = arith.addi %rem3A_592, %select_n3A_591 : i32
        %select_n3A_602 = arith.select %and3A_600, %add3A_601, %rem3A_592 : i32
        %dma_wait3A_603 = arith.constant 0 : i32
        %dma_wait3A_604 = tpu.memref_slice %arg6[%select_n3A_602, %dma_wait3A_603] : memref<6x72xi32, #tpu.memory_space<vmem>> -> memref<1x72xi32, #tpu.memory_space<vmem>>
        %dma_wait3A_605 = tpu.memref_squeeze %dma_wait3A_604 : memref<1x72xi32, #tpu.memory_space<vmem>> -> memref<72xi32, #tpu.memory_space<vmem>>
        %dma_wait3A_606 = arith.constant 0 : i32
        %dma_wait3A_607 = tpu.memref_slice %arg3[%add3A, %sub3A_561, %dma_wait3A_606] : memref<32x139x72xi32, #tpu.memory_space<hbm>> -> memref<1x1x72xi32, #tpu.memory_space<hbm>>
        %dma_wait3A_608 = tpu.memref_squeeze %dma_wait3A_607 : memref<1x1x72xi32, #tpu.memory_space<hbm>> -> memref<72xi32, #tpu.memory_space<hbm>>
        %dma_wait3A_609 = tpu.memref_slice %arg12[%select_n3A_602] : memref<6x!tpu.dma_semaphore, #tpu.memory_space<semaphore_mem>> -> memref<1x!tpu.dma_semaphore, #tpu.memory_space<semaphore_mem>>
        %dma_wait3A_610 = tpu.memref_squeeze %dma_wait3A_609 : memref<1x!tpu.dma_semaphore, #tpu.memory_space<semaphore_mem>> -> memref<!tpu.dma_semaphore, #tpu.memory_space<semaphore_mem>>
        %dma_wait3A_611 = arith.constant 0 : i32
        %dma_wait3A_612 = tpu.memref_slice %arg6[%select_n3A_602, %dma_wait3A_611] : memref<6x72xi32, #tpu.memory_space<vmem>> -> memref<1x72xi32, #tpu.memory_space<vmem>>
        %dma_wait3A_613 = tpu.memref_squeeze %dma_wait3A_612 : memref<1x72xi32, #tpu.memory_space<vmem>> -> memref<72xi32, #tpu.memory_space<vmem>>
        %dma_wait3A_614 = arith.constant 0 : i32
        %dma_wait3A_615 = tpu.memref_slice %arg3[%add3A, %sub3A_561, %dma_wait3A_614] : memref<32x139x72xi32, #tpu.memory_space<hbm>> -> memref<1x1x72xi32, #tpu.memory_space<hbm>>
        %dma_wait3A_616 = tpu.memref_squeeze %dma_wait3A_615 : memref<1x1x72xi32, #tpu.memory_space<hbm>> -> memref<72xi32, #tpu.memory_space<hbm>>
        tpu.wait_dma2 semaphore(%dma_wait3A_610 : memref<!tpu.dma_semaphore, #tpu.memory_space<semaphore_mem>>) src(%dma_wait3A_616 : memref<72xi32, #tpu.memory_space<hbm>>) dst(%dma_wait3A_613 : memref<72xi32, #tpu.memory_space<vmem>>)
        %dma_wait3A_617 = arith.constant 0 : i32
        %dma_wait3A_618 = tpu.memref_slice %arg7[%select_n3A_602, %dma_wait3A_617] : memref<6x72xi32, #tpu.memory_space<vmem>> -> memref<1x72xi32, #tpu.memory_space<vmem>>
        %dma_wait3A_619 = tpu.memref_squeeze %dma_wait3A_618 : memref<1x72xi32, #tpu.memory_space<vmem>> -> memref<72xi32, #tpu.memory_space<vmem>>
        %dma_wait3A_620 = arith.constant 0 : i32
        %dma_wait3A_621 = tpu.memref_slice %arg4[%add3A, %sub3A_561, %dma_wait3A_620] : memref<32x139x72xi32, #tpu.memory_space<hbm>> -> memref<1x1x72xi32, #tpu.memory_space<hbm>>
        %dma_wait3A_622 = tpu.memref_squeeze %dma_wait3A_621 : memref<1x1x72xi32, #tpu.memory_space<hbm>> -> memref<72xi32, #tpu.memory_space<hbm>>
        %dma_wait3A_623 = tpu.memref_slice %arg12[%select_n3A_602] : memref<6x!tpu.dma_semaphore, #tpu.memory_space<semaphore_mem>> -> memref<1x!tpu.dma_semaphore, #tpu.memory_space<semaphore_mem>>
        %dma_wait3A_624 = tpu.memref_squeeze %dma_wait3A_623 : memref<1x!tpu.dma_semaphore, #tpu.memory_space<semaphore_mem>> -> memref<!tpu.dma_semaphore, #tpu.memory_space<semaphore_mem>>
        %dma_wait3A_625 = arith.constant 0 : i32
        %dma_wait3A_626 = tpu.memref_slice %arg7[%select_n3A_602, %dma_wait3A_625] : memref<6x72xi32, #tpu.memory_space<vmem>> -> memref<1x72xi32, #tpu.memory_space<vmem>>
        %dma_wait3A_627 = tpu.memref_squeeze %dma_wait3A_626 : memref<1x72xi32, #tpu.memory_space<vmem>> -> memref<72xi32, #tpu.memory_space<vmem>>
        %dma_wait3A_628 = arith.constant 0 : i32
        %dma_wait3A_629 = tpu.memref_slice %arg4[%add3A, %sub3A_561, %dma_wait3A_628] : memref<32x139x72xi32, #tpu.memory_space<hbm>> -> memref<1x1x72xi32, #tpu.memory_space<hbm>>
        %dma_wait3A_630 = tpu.memref_squeeze %dma_wait3A_629 : memref<1x1x72xi32, #tpu.memory_space<hbm>> -> memref<72xi32, #tpu.memory_space<hbm>>
        tpu.wait_dma2 semaphore(%dma_wait3A_624 : memref<!tpu.dma_semaphore, #tpu.memory_space<semaphore_mem>>) src(%dma_wait3A_630 : memref<72xi32, #tpu.memory_space<hbm>>) dst(%dma_wait3A_627 : memref<72xi32, #tpu.memory_space<vmem>>)
        %jit3A_631 = arith.constant 6 : i32
        %eq3A_632 = arith.constant 0 : i32
        %eq3A_633 = arith.cmpi eq, %jit3A_631, %eq3A_632 : i32
        %jit3A_634 = arith.constant 1 : i32
        %select_n3A_635 = arith.select %eq3A_633, %jit3A_634, %jit3A_631 : i32
        %rem3A_636 = arith.remsi %sub3A_561, %select_n3A_635 : i32
        %ne3A_637 = arith.constant 0 : i32
        %ne3A_638 = arith.cmpi ne, %rem3A_636, %ne3A_637 : i32
        %lt3A_639 = arith.constant 0 : i32
        %lt3A_640 = arith.cmpi slt, %rem3A_636, %lt3A_639 : i32
        %lt3A_641 = arith.constant 0 : i32
        %lt3A_642 = arith.cmpi slt, %select_n3A_635, %lt3A_641 : i32
        %ne3A_643 = arith.xori %lt3A_640, %lt3A_642 : i1
        %and3A_644 = arith.andi %ne3A_643, %ne3A_638 : i1
        %add3A_645 = arith.addi %rem3A_636, %select_n3A_635 : i32
        %select_n3A_646 = arith.select %and3A_644, %add3A_645, %rem3A_636 : i32
        %dma_start3A_647 = arith.constant 0 : i32
        %dma_start3A_648 = arith.constant 0 : i32
        %dma_start3A_649 = tpu.memref_slice %arg8[%select_n3A_577, %dma_start3A_647, %dma_start3A_648] : memref<5x72x128xf32, #tpu.memory_space<vmem>> -> memref<1x72x128xf32, #tpu.memory_space<vmem>>
        %dma_start3A_650 = tpu.memref_squeeze %dma_start3A_649 : memref<1x72x128xf32, #tpu.memory_space<vmem>> -> memref<72x128xf32, #tpu.memory_space<vmem>>
        %dma_start3A_651 = arith.constant 0 : i32
        %dma_start3A_652 = tpu.memref_slice %arg6[%select_n3A_646, %dma_start3A_651] : memref<6x72xi32, #tpu.memory_space<vmem>> -> memref<1x72xi32, #tpu.memory_space<vmem>>
        %dma_start3A_653 = tpu.memref_squeeze %dma_start3A_652 : memref<1x72xi32, #tpu.memory_space<vmem>> -> memref<72xi32, #tpu.memory_space<vmem>>
        %dma_start3A_654 = arith.constant 0 : i32
        %dma_start3A_655 = arith.constant 0 : i32
        %dma_start3A_656 = tpu.memref_slice %arg2[%dma_start3A_654, %dma_start3A_655] : memref<10000x128xf32, #tpu.memory_space<hbm>> -> memref<10000x128xf32, #tpu.memory_space<hbm>>
        %dma_start3A_657 = tpu.memref_slice %arg10[%select_n3A_577] : memref<5x!tpu.dma_semaphore, #tpu.memory_space<semaphore_mem>> -> memref<1x!tpu.dma_semaphore, #tpu.memory_space<semaphore_mem>>
        %dma_start3A_658 = tpu.memref_squeeze %dma_start3A_657 : memref<1x!tpu.dma_semaphore, #tpu.memory_space<semaphore_mem>> -> memref<!tpu.dma_semaphore, #tpu.memory_space<semaphore_mem>>
        tpu.enqueue_indirect_dma source(%dma_start3A_656 : memref<10000x128xf32, #tpu.memory_space<hbm>>) target(%dma_start3A_650 : memref<72x128xf32, #tpu.memory_space<vmem>>) offsets(%dma_start3A_653 : memref<72xi32, #tpu.memory_space<vmem>>) semaphore(%dma_start3A_658 : memref<!tpu.dma_semaphore, #tpu.memory_space<semaphore_mem>>)
        %ge3A_659 = arith.constant 1 : i32
        %ge3A_660 = arith.cmpi sge, %add3A_492, %ge3A_659 : i32
        %add3A_661 = arith.constant 5 : i32
        %add3A_662 = arith.addi %add3A_492, %add3A_661 : i32
        %lt3A_663 = arith.constant 139 : i32
        %lt3A_664 = arith.cmpi slt, %add3A_662, %lt3A_663 : i32
        %and3A_665 = arith.andi %ge3A_660, %lt3A_664 : i1
        %convert_element_type3A_666 = arith.extui %and3A_665 : i1 to i32
        %cond3A_667 = arith.constant 0 : i32
        %cond3A_668 = arith.cmpi ne, %convert_element_type3A_666, %cond3A_667 : i32
        scf.if %cond3A_668 {
          %add3A_669 = arith.constant 5 : i32
          %add3A_670 = arith.addi %add3A_492, %add3A_669 : i32
          %add3A_671 = arith.constant 5 : i32
          %add3A_672 = arith.addi %add3A_492, %add3A_671 : i32
          %jit3A_673 = arith.constant 6 : i32
          %eq3A_674 = arith.constant 0 : i32
          %eq3A_675 = arith.cmpi eq, %jit3A_673, %eq3A_674 : i32
          %jit3A_676 = arith.constant 1 : i32
          %select_n3A_677 = arith.select %eq3A_675, %jit3A_676, %jit3A_673 : i32
          %rem3A_678 = arith.remsi %add3A_672, %select_n3A_677 : i32
          %ne3A_679 = arith.constant 0 : i32
          %ne3A_680 = arith.cmpi ne, %rem3A_678, %ne3A_679 : i32
          %lt3A_681 = arith.constant 0 : i32
          %lt3A_682 = arith.cmpi slt, %rem3A_678, %lt3A_681 : i32
          %lt3A_683 = arith.constant 0 : i32
          %lt3A_684 = arith.cmpi slt, %select_n3A_677, %lt3A_683 : i32
          %ne3A_685 = arith.xori %lt3A_682, %lt3A_684 : i1
          %and3A_686 = arith.andi %ne3A_685, %ne3A_680 : i1
          %add3A_687 = arith.addi %rem3A_678, %select_n3A_677 : i32
          %select_n3A_688 = arith.select %and3A_686, %add3A_687, %rem3A_678 : i32
          %dma_start3A_689 = arith.constant 0 : i32
          %dma_start3A_690 = tpu.memref_slice %arg6[%select_n3A_688, %dma_start3A_689] : memref<6x72xi32, #tpu.memory_space<vmem>> -> memref<1x72xi32, #tpu.memory_space<vmem>>
          %dma_start3A_691 = tpu.memref_squeeze %dma_start3A_690 : memref<1x72xi32, #tpu.memory_space<vmem>> -> memref<72xi32, #tpu.memory_space<vmem>>
          %dma_start3A_692 = arith.constant 0 : i32
          %dma_start3A_693 = tpu.memref_slice %arg3[%add3A, %add3A_670, %dma_start3A_692] : memref<32x139x72xi32, #tpu.memory_space<hbm>> -> memref<1x1x72xi32, #tpu.memory_space<hbm>>
          %dma_start3A_694 = tpu.memref_squeeze %dma_start3A_693 : memref<1x1x72xi32, #tpu.memory_space<hbm>> -> memref<72xi32, #tpu.memory_space<hbm>>
          %dma_start3A_695 = tpu.memref_slice %arg12[%select_n3A_688] : memref<6x!tpu.dma_semaphore, #tpu.memory_space<semaphore_mem>> -> memref<1x!tpu.dma_semaphore, #tpu.memory_space<semaphore_mem>>
          %dma_start3A_696 = tpu.memref_squeeze %dma_start3A_695 : memref<1x!tpu.dma_semaphore, #tpu.memory_space<semaphore_mem>> -> memref<!tpu.dma_semaphore, #tpu.memory_space<semaphore_mem>>
          %dma_start3A_697 = arith.constant 0 : i32
          %dma_start3A_698 = tpu.memref_slice %arg6[%select_n3A_688, %dma_start3A_697] : memref<6x72xi32, #tpu.memory_space<vmem>> -> memref<1x72xi32, #tpu.memory_space<vmem>>
          %dma_start3A_699 = tpu.memref_squeeze %dma_start3A_698 : memref<1x72xi32, #tpu.memory_space<vmem>> -> memref<72xi32, #tpu.memory_space<vmem>>
          %dma_start3A_700 = arith.constant 0 : i32
          %dma_start3A_701 = tpu.memref_slice %arg3[%add3A, %add3A_670, %dma_start3A_700] : memref<32x139x72xi32, #tpu.memory_space<hbm>> -> memref<1x1x72xi32, #tpu.memory_space<hbm>>
          %dma_start3A_702 = tpu.memref_squeeze %dma_start3A_701 : memref<1x1x72xi32, #tpu.memory_space<hbm>> -> memref<72xi32, #tpu.memory_space<hbm>>
          tpu.enqueue_dma source(%dma_start3A_702 : memref<72xi32, #tpu.memory_space<hbm>>) target(%dma_start3A_699 : memref<72xi32, #tpu.memory_space<vmem>>) target_semaphore(%dma_start3A_696 : memref<!tpu.dma_semaphore, #tpu.memory_space<semaphore_mem>>)
          %dma_start3A_703 = arith.constant 0 : i32
          %dma_start3A_704 = tpu.memref_slice %arg7[%select_n3A_688, %dma_start3A_703] : memref<6x72xi32, #tpu.memory_space<vmem>> -> memref<1x72xi32, #tpu.memory_space<vmem>>
          %dma_start3A_705 = tpu.memref_squeeze %dma_start3A_704 : memref<1x72xi32, #tpu.memory_space<vmem>> -> memref<72xi32, #tpu.memory_space<vmem>>
          %dma_start3A_706 = arith.constant 0 : i32
          %dma_start3A_707 = tpu.memref_slice %arg4[%add3A, %add3A_670, %dma_start3A_706] : memref<32x139x72xi32, #tpu.memory_space<hbm>> -> memref<1x1x72xi32, #tpu.memory_space<hbm>>
          %dma_start3A_708 = tpu.memref_squeeze %dma_start3A_707 : memref<1x1x72xi32, #tpu.memory_space<hbm>> -> memref<72xi32, #tpu.memory_space<hbm>>
          %dma_start3A_709 = tpu.memref_slice %arg12[%select_n3A_688] : memref<6x!tpu.dma_semaphore, #tpu.memory_space<semaphore_mem>> -> memref<1x!tpu.dma_semaphore, #tpu.memory_space<semaphore_mem>>
          %dma_start3A_710 = tpu.memref_squeeze %dma_start3A_709 : memref<1x!tpu.dma_semaphore, #tpu.memory_space<semaphore_mem>> -> memref<!tpu.dma_semaphore, #tpu.memory_space<semaphore_mem>>
          %dma_start3A_711 = arith.constant 0 : i32
          %dma_start3A_712 = tpu.memref_slice %arg7[%select_n3A_688, %dma_start3A_711] : memref<6x72xi32, #tpu.memory_space<vmem>> -> memref<1x72xi32, #tpu.memory_space<vmem>>
          %dma_start3A_713 = tpu.memref_squeeze %dma_start3A_712 : memref<1x72xi32, #tpu.memory_space<vmem>> -> memref<72xi32, #tpu.memory_space<vmem>>
          %dma_start3A_714 = arith.constant 0 : i32
          %dma_start3A_715 = tpu.memref_slice %arg4[%add3A, %add3A_670, %dma_start3A_714] : memref<32x139x72xi32, #tpu.memory_space<hbm>> -> memref<1x1x72xi32, #tpu.memory_space<hbm>>
          %dma_start3A_716 = tpu.memref_squeeze %dma_start3A_715 : memref<1x1x72xi32, #tpu.memory_space<hbm>> -> memref<72xi32, #tpu.memory_space<hbm>>
          tpu.enqueue_dma source(%dma_start3A_716 : memref<72xi32, #tpu.memory_space<hbm>>) target(%dma_start3A_713 : memref<72xi32, #tpu.memory_space<vmem>>) target_semaphore(%dma_start3A_710 : memref<!tpu.dma_semaphore, #tpu.memory_space<semaphore_mem>>)
        } else {
        }
      } else {
      }
    }
    %scan3A_406 = arith.constant 139 : i32
    %dma_wait3A_407 = arith.constant 0 : i32
    %dma_wait3A_408 = arith.constant 0 : i32
    %dma_wait3A_409 = arith.constant 0 : i32
    %dma_wait3A_410 = arith.constant 0 : i32
    %dma_wait3A_411 = arith.constant 0 : i32
    %dma_wait3A_412 = tpu.memref_slice %arg8[%dma_wait3A_407, %dma_wait3A_410, %dma_wait3A_411] : memref<5x72x128xf32, #tpu.memory_space<vmem>> -> memref<1x72x128xf32, #tpu.memory_space<vmem>>
    %dma_wait3A_413 = tpu.memref_squeeze %dma_wait3A_412 : memref<1x72x128xf32, #tpu.memory_space<vmem>> -> memref<72x128xf32, #tpu.memory_space<vmem>>
    %dma_wait3A_414 = arith.constant 0 : i32
    %dma_wait3A_415 = tpu.memref_slice %arg7[%dma_wait3A_408, %dma_wait3A_414] : memref<6x72xi32, #tpu.memory_space<vmem>> -> memref<1x72xi32, #tpu.memory_space<vmem>>
    %dma_wait3A_416 = tpu.memref_squeeze %dma_wait3A_415 : memref<1x72xi32, #tpu.memory_space<vmem>> -> memref<72xi32, #tpu.memory_space<vmem>>
    %dma_wait3A_417 = arith.constant 0 : i32
    %dma_wait3A_418 = arith.constant 0 : i32
    %dma_wait3A_419 = tpu.memref_slice %arg9[%dma_wait3A_417, %dma_wait3A_418] : memref<10008x128xf32, #tpu.memory_space<vmem_shared>> -> memref<10008x128xf32, #tpu.memory_space<vmem_shared>>
    %dma_wait3A_420 = tpu.memref_slice %arg11[%dma_wait3A_409] : memref<5x!tpu.dma_semaphore, #tpu.memory_space<semaphore_mem>> -> memref<1x!tpu.dma_semaphore, #tpu.memory_space<semaphore_mem>>
    %dma_wait3A_421 = tpu.memref_squeeze %dma_wait3A_420 : memref<1x!tpu.dma_semaphore, #tpu.memory_space<semaphore_mem>> -> memref<!tpu.dma_semaphore, #tpu.memory_space<semaphore_mem>>
    tpu.wait_indirect_dma semaphore(%dma_wait3A_421 : memref<!tpu.dma_semaphore, #tpu.memory_space<semaphore_mem>>) src(%dma_wait3A_413 : memref<72x128xf32, #tpu.memory_space<vmem>>) dst(%dma_wait3A_419 : memref<10008x128xf32, #tpu.memory_space<vmem_shared>>)
    %dma_wait3A_422 = arith.constant 1 : i32
    %dma_wait3A_423 = arith.constant 0 : i32
    %dma_wait3A_424 = arith.constant 1 : i32
    %dma_wait3A_425 = arith.constant 0 : i32
    %dma_wait3A_426 = arith.constant 0 : i32
    %dma_wait3A_427 = tpu.memref_slice %arg8[%dma_wait3A_422, %dma_wait3A_425, %dma_wait3A_426] : memref<5x72x128xf32, #tpu.memory_space<vmem>> -> memref<1x72x128xf32, #tpu.memory_space<vmem>>
    %dma_wait3A_428 = tpu.memref_squeeze %dma_wait3A_427 : memref<1x72x128xf32, #tpu.memory_space<vmem>> -> memref<72x128xf32, #tpu.memory_space<vmem>>
    %dma_wait3A_429 = arith.constant 0 : i32
    %dma_wait3A_430 = tpu.memref_slice %arg7[%dma_wait3A_423, %dma_wait3A_429] : memref<6x72xi32, #tpu.memory_space<vmem>> -> memref<1x72xi32, #tpu.memory_space<vmem>>
    %dma_wait3A_431 = tpu.memref_squeeze %dma_wait3A_430 : memref<1x72xi32, #tpu.memory_space<vmem>> -> memref<72xi32, #tpu.memory_space<vmem>>
    %dma_wait3A_432 = arith.constant 0 : i32
    %dma_wait3A_433 = arith.constant 0 : i32
    %dma_wait3A_434 = tpu.memref_slice %arg9[%dma_wait3A_432, %dma_wait3A_433] : memref<10008x128xf32, #tpu.memory_space<vmem_shared>> -> memref<10008x128xf32, #tpu.memory_space<vmem_shared>>
    %dma_wait3A_435 = tpu.memref_slice %arg11[%dma_wait3A_424] : memref<5x!tpu.dma_semaphore, #tpu.memory_space<semaphore_mem>> -> memref<1x!tpu.dma_semaphore, #tpu.memory_space<semaphore_mem>>
    %dma_wait3A_436 = tpu.memref_squeeze %dma_wait3A_435 : memref<1x!tpu.dma_semaphore, #tpu.memory_space<semaphore_mem>> -> memref<!tpu.dma_semaphore, #tpu.memory_space<semaphore_mem>>
    tpu.wait_indirect_dma semaphore(%dma_wait3A_436 : memref<!tpu.dma_semaphore, #tpu.memory_space<semaphore_mem>>) src(%dma_wait3A_428 : memref<72x128xf32, #tpu.memory_space<vmem>>) dst(%dma_wait3A_434 : memref<10008x128xf32, #tpu.memory_space<vmem_shared>>)
    %dma_wait3A_437 = arith.constant 2 : i32
    %dma_wait3A_438 = arith.constant 0 : i32
    %dma_wait3A_439 = arith.constant 2 : i32
    %dma_wait3A_440 = arith.constant 0 : i32
    %dma_wait3A_441 = arith.constant 0 : i32
    %dma_wait3A_442 = tpu.memref_slice %arg8[%dma_wait3A_437, %dma_wait3A_440, %dma_wait3A_441] : memref<5x72x128xf32, #tpu.memory_space<vmem>> -> memref<1x72x128xf32, #tpu.memory_space<vmem>>
    %dma_wait3A_443 = tpu.memref_squeeze %dma_wait3A_442 : memref<1x72x128xf32, #tpu.memory_space<vmem>> -> memref<72x128xf32, #tpu.memory_space<vmem>>
    %dma_wait3A_444 = arith.constant 0 : i32
    %dma_wait3A_445 = tpu.memref_slice %arg7[%dma_wait3A_438, %dma_wait3A_444] : memref<6x72xi32, #tpu.memory_space<vmem>> -> memref<1x72xi32, #tpu.memory_space<vmem>>
    %dma_wait3A_446 = tpu.memref_squeeze %dma_wait3A_445 : memref<1x72xi32, #tpu.memory_space<vmem>> -> memref<72xi32, #tpu.memory_space<vmem>>
    %dma_wait3A_447 = arith.constant 0 : i32
    %dma_wait3A_448 = arith.constant 0 : i32
    %dma_wait3A_449 = tpu.memref_slice %arg9[%dma_wait3A_447, %dma_wait3A_448] : memref<10008x128xf32, #tpu.memory_space<vmem_shared>> -> memref<10008x128xf32, #tpu.memory_space<vmem_shared>>
    %dma_wait3A_450 = tpu.memref_slice %arg11[%dma_wait3A_439] : memref<5x!tpu.dma_semaphore, #tpu.memory_space<semaphore_mem>> -> memref<1x!tpu.dma_semaphore, #tpu.memory_space<semaphore_mem>>
    %dma_wait3A_451 = tpu.memref_squeeze %dma_wait3A_450 : memref<1x!tpu.dma_semaphore, #tpu.memory_space<semaphore_mem>> -> memref<!tpu.dma_semaphore, #tpu.memory_space<semaphore_mem>>
    tpu.wait_indirect_dma semaphore(%dma_wait3A_451 : memref<!tpu.dma_semaphore, #tpu.memory_space<semaphore_mem>>) src(%dma_wait3A_443 : memref<72x128xf32, #tpu.memory_space<vmem>>) dst(%dma_wait3A_449 : memref<10008x128xf32, #tpu.memory_space<vmem_shared>>)
    %dma_wait3A_452 = arith.constant 3 : i32
    %dma_wait3A_453 = arith.constant 0 : i32
    %dma_wait3A_454 = arith.constant 3 : i32
    %dma_wait3A_455 = arith.constant 0 : i32
    %dma_wait3A_456 = arith.constant 0 : i32
    %dma_wait3A_457 = tpu.memref_slice %arg8[%dma_wait3A_452, %dma_wait3A_455, %dma_wait3A_456] : memref<5x72x128xf32, #tpu.memory_space<vmem>> -> memref<1x72x128xf32, #tpu.memory_space<vmem>>
    %dma_wait3A_458 = tpu.memref_squeeze %dma_wait3A_457 : memref<1x72x128xf32, #tpu.memory_space<vmem>> -> memref<72x128xf32, #tpu.memory_space<vmem>>
    %dma_wait3A_459 = arith.constant 0 : i32
    %dma_wait3A_460 = tpu.memref_slice %arg7[%dma_wait3A_453, %dma_wait3A_459] : memref<6x72xi32, #tpu.memory_space<vmem>> -> memref<1x72xi32, #tpu.memory_space<vmem>>
    %dma_wait3A_461 = tpu.memref_squeeze %dma_wait3A_460 : memref<1x72xi32, #tpu.memory_space<vmem>> -> memref<72xi32, #tpu.memory_space<vmem>>
    %dma_wait3A_462 = arith.constant 0 : i32
    %dma_wait3A_463 = arith.constant 0 : i32
    %dma_wait3A_464 = tpu.memref_slice %arg9[%dma_wait3A_462, %dma_wait3A_463] : memref<10008x128xf32, #tpu.memory_space<vmem_shared>> -> memref<10008x128xf32, #tpu.memory_space<vmem_shared>>
    %dma_wait3A_465 = tpu.memref_slice %arg11[%dma_wait3A_454] : memref<5x!tpu.dma_semaphore, #tpu.memory_space<semaphore_mem>> -> memref<1x!tpu.dma_semaphore, #tpu.memory_space<semaphore_mem>>
    %dma_wait3A_466 = tpu.memref_squeeze %dma_wait3A_465 : memref<1x!tpu.dma_semaphore, #tpu.memory_space<semaphore_mem>> -> memref<!tpu.dma_semaphore, #tpu.memory_space<semaphore_mem>>
    tpu.wait_indirect_dma semaphore(%dma_wait3A_466 : memref<!tpu.dma_semaphore, #tpu.memory_space<semaphore_mem>>) src(%dma_wait3A_458 : memref<72x128xf32, #tpu.memory_space<vmem>>) dst(%dma_wait3A_464 : memref<10008x128xf32, #tpu.memory_space<vmem_shared>>)
    %dma_wait3A_467 = arith.constant 4 : i32
    %dma_wait3A_468 = arith.constant 0 : i32
    %dma_wait3A_469 = arith.constant 4 : i32
    %dma_wait3A_470 = arith.constant 0 : i32
    %dma_wait3A_471 = arith.constant 0 : i32
    %dma_wait3A_472 = tpu.memref_slice %arg8[%dma_wait3A_467, %dma_wait3A_470, %dma_wait3A_471] : memref<5x72x128xf32, #tpu.memory_space<vmem>> -> memref<1x72x128xf32, #tpu.memory_space<vmem>>
    %dma_wait3A_473 = tpu.memref_squeeze %dma_wait3A_472 : memref<1x72x128xf32, #tpu.memory_space<vmem>> -> memref<72x128xf32, #tpu.memory_space<vmem>>
    %dma_wait3A_474 = arith.constant 0 : i32
    %dma_wait3A_475 = tpu.memref_slice %arg7[%dma_wait3A_468, %dma_wait3A_474] : memref<6x72xi32, #tpu.memory_space<vmem>> -> memref<1x72xi32, #tpu.memory_space<vmem>>
    %dma_wait3A_476 = tpu.memref_squeeze %dma_wait3A_475 : memref<1x72xi32, #tpu.memory_space<vmem>> -> memref<72xi32, #tpu.memory_space<vmem>>
    %dma_wait3A_477 = arith.constant 0 : i32
    %dma_wait3A_478 = arith.constant 0 : i32
    %dma_wait3A_479 = tpu.memref_slice %arg9[%dma_wait3A_477, %dma_wait3A_478] : memref<10008x128xf32, #tpu.memory_space<vmem_shared>> -> memref<10008x128xf32, #tpu.memory_space<vmem_shared>>
    %dma_wait3A_480 = tpu.memref_slice %arg11[%dma_wait3A_469] : memref<5x!tpu.dma_semaphore, #tpu.memory_space<semaphore_mem>> -> memref<1x!tpu.dma_semaphore, #tpu.memory_space<semaphore_mem>>
    %dma_wait3A_481 = tpu.memref_squeeze %dma_wait3A_480 : memref<1x!tpu.dma_semaphore, #tpu.memory_space<semaphore_mem>> -> memref<!tpu.dma_semaphore, #tpu.memory_space<semaphore_mem>>
    tpu.wait_indirect_dma semaphore(%dma_wait3A_481 : memref<!tpu.dma_semaphore, #tpu.memory_space<semaphore_mem>>) src(%dma_wait3A_473 : memref<72x128xf32, #tpu.memory_space<vmem>>) dst(%dma_wait3A_479 : memref<10008x128xf32, #tpu.memory_space<vmem_shared>>)
    %barrier3A_482 = arith.constant 0 : index
    tpu.barrier barrier_id(%barrier3A_482)
    "tpu.region"() ({
      %run_scoped3A = tpu.sem_alloc : memref<!tpu.dma_semaphore, #tpu.memory_space<semaphore_mem>>
      %dma_start3A_488 = arith.constant 0 : i32
      %dma_start3A_489 = tpu.memref_slice %arg5[%arg0, %mul3A_205, %dma_start3A_488] : memref<2x10000x128xf32, #tpu.memory_space<hbm>> -> memref<1x624x128xf32, #tpu.memory_space<hbm>>
      %dma_start3A_490 = tpu.memref_squeeze %dma_start3A_489 : memref<1x624x128xf32, #tpu.memory_space<hbm>> -> memref<624x128xf32, #tpu.memory_space<hbm>>
      %dma_start3A_491 = arith.constant 0 : i32
      %dma_start3A_492 = tpu.memref_slice %arg9[%mul3A_205, %dma_start3A_491] : memref<10008x128xf32, #tpu.memory_space<vmem_shared>> -> memref<624x128xf32, #tpu.memory_space<vmem_shared>>
      tpu.enqueue_dma source(%dma_start3A_492 : memref<624x128xf32, #tpu.memory_space<vmem_shared>>) target(%dma_start3A_490 : memref<624x128xf32, #tpu.memory_space<hbm>>) target_semaphore(%run_scoped3A : memref<!tpu.dma_semaphore, #tpu.memory_space<semaphore_mem>>)
      %dma_wait3A_493 = arith.constant 0 : i32
      %dma_wait3A_494 = tpu.memref_slice %arg5[%arg0, %mul3A_205, %dma_wait3A_493] : memref<2x10000x128xf32, #tpu.memory_space<hbm>> -> memref<1x624x128xf32, #tpu.memory_space<hbm>>
      %dma_wait3A_495 = tpu.memref_squeeze %dma_wait3A_494 : memref<1x624x128xf32, #tpu.memory_space<hbm>> -> memref<624x128xf32, #tpu.memory_space<hbm>>
      %dma_wait3A_496 = arith.constant 0 : i32
      %dma_wait3A_497 = tpu.memref_slice %arg9[%mul3A_205, %dma_wait3A_496] : memref<10008x128xf32, #tpu.memory_space<vmem_shared>> -> memref<624x128xf32, #tpu.memory_space<vmem_shared>>
      tpu.wait_dma2 semaphore(%run_scoped3A : memref<!tpu.dma_semaphore, #tpu.memory_space<semaphore_mem>>) src(%dma_wait3A_497 : memref<624x128xf32, #tpu.memory_space<vmem_shared>>) dst(%dma_wait3A_495 : memref<624x128xf32, #tpu.memory_space<hbm>>)
      tpu.yield
    }) : () -> ()
    %eq3A_483 = arith.constant 15 : i32
    %eq3A_484 = arith.cmpi eq, %arg1, %eq3A_483 : i32
    %convert_element_type3A_485 = arith.extui %eq3A_484 : i1 to i32
    %cond3A_486 = arith.constant 0 : i32
    %cond3A_487 = arith.cmpi ne, %convert_element_type3A_485, %cond3A_486 : i32
    scf.if %cond3A_487 {
      "tpu.region"() ({
        %run_scoped3A = tpu.sem_alloc : memref<!tpu.dma_semaphore, #tpu.memory_space<semaphore_mem>>
        %dma_start3A_488 = arith.constant 9984 : i32
        %dma_start3A_489 = arith.constant 0 : i32
        %dma_start3A_490 = tpu.memref_slice %arg5[%arg0, %dma_start3A_488, %dma_start3A_489] : memref<2x10000x128xf32, #tpu.memory_space<hbm>> -> memref<1x16x128xf32, #tpu.memory_space<hbm>>
        %dma_start3A_491 = tpu.memref_squeeze %dma_start3A_490 : memref<1x16x128xf32, #tpu.memory_space<hbm>> -> memref<16x128xf32, #tpu.memory_space<hbm>>
        %dma_start3A_492 = arith.constant 9984 : i32
        %dma_start3A_493 = arith.constant 0 : i32
        %dma_start3A_494 = tpu.memref_slice %arg9[%dma_start3A_492, %dma_start3A_493] : memref<10008x128xf32, #tpu.memory_space<vmem_shared>> -> memref<16x128xf32, #tpu.memory_space<vmem_shared>>
        tpu.enqueue_dma source(%dma_start3A_494 : memref<16x128xf32, #tpu.memory_space<vmem_shared>>) target(%dma_start3A_491 : memref<16x128xf32, #tpu.memory_space<hbm>>) target_semaphore(%run_scoped3A : memref<!tpu.dma_semaphore, #tpu.memory_space<semaphore_mem>>)
        %dma_wait3A_495 = arith.constant 9984 : i32
        %dma_wait3A_496 = arith.constant 0 : i32
        %dma_wait3A_497 = tpu.memref_slice %arg5[%arg0, %dma_wait3A_495, %dma_wait3A_496] : memref<2x10000x128xf32, #tpu.memory_space<hbm>> -> memref<1x16x128xf32, #tpu.memory_space<hbm>>
        %dma_wait3A_498 = tpu.memref_squeeze %dma_wait3A_497 : memref<1x16x128xf32, #tpu.memory_space<hbm>> -> memref<16x128xf32, #tpu.memory_space<hbm>>
        %dma_wait3A_499 = arith.constant 9984 : i32
        %dma_wait3A_500 = arith.constant 0 : i32
        %dma_wait3A_501 = tpu.memref_slice %arg9[%dma_wait3A_499, %dma_wait3A_500] : memref<10008x128xf32, #tpu.memory_space<vmem_shared>> -> memref<16x128xf32, #tpu.memory_space<vmem_shared>>
        tpu.wait_dma2 semaphore(%run_scoped3A : memref<!tpu.dma_semaphore, #tpu.memory_space<semaphore_mem>>) src(%dma_wait3A_501 : memref<16x128xf32, #tpu.memory_space<vmem_shared>>) dst(%dma_wait3A_498 : memref<16x128xf32, #tpu.memory_space<hbm>>)
        tpu.yield
      }) : () -> ()
    } else {
    }
    return
  }
}

module attributes {stable_mosaic.version = 14 : i64} {
  func.func @_mlp_body(%arg0: i32, %arg1: memref<1000x128xf32, #tpu.memory_space<vmem>>, %arg2: memref<2x1000x128xf32, #tpu.memory_space<vmem>>, %arg3: memref<128x128xf32, #tpu.memory_space<vmem>>, %arg4: memref<1x128xf32, #tpu.memory_space<vmem>>, %arg5: memref<128x128xf32, #tpu.memory_space<vmem>>, %arg6: memref<1x128xf32, #tpu.memory_space<vmem>>, %arg7: memref<128x128xf32, #tpu.memory_space<vmem>>, %arg8: memref<1x128xf32, #tpu.memory_space<vmem>>, %arg9: memref<1000x128xf32, #tpu.memory_space<vmem>>) attributes {dimension_semantics = [#tpu.dimension_semantics<arbitrary>], iteration_bounds = array<i64: 10>, scalar_prefetch = 0 : i64, scratch_operands = 0 : i64, tpu.core_type = #tpu.core_type<tc>, window_params = [{transform_indices = @transform_0, window_bounds = array<i64: 1000, 128>}, {transform_indices = @transform_1, window_bounds = array<i64: 2, 1000, 128>}, {pipeline_mode = #tpu.pipeline_mode<synchronous>, transform_indices = @transform_2, window_bounds = array<i64: 128, 128>}, {pipeline_mode = #tpu.pipeline_mode<synchronous>, transform_indices = @transform_3, window_bounds = array<i64: 1, 128>}, {pipeline_mode = #tpu.pipeline_mode<synchronous>, transform_indices = @transform_4, window_bounds = array<i64: 128, 128>}, {pipeline_mode = #tpu.pipeline_mode<synchronous>, transform_indices = @transform_5, window_bounds = array<i64: 1, 128>}, {pipeline_mode = #tpu.pipeline_mode<synchronous>, transform_indices = @transform_6, window_bounds = array<i64: 128, 128>}, {pipeline_mode = #tpu.pipeline_mode<synchronous>, transform_indices = @transform_7, window_bounds = array<i64: 1, 128>}, {transform_indices = @transform_8, window_bounds = array<i64: 1000, 128>}]} {
    %get3A = arith.constant 0 : index
    %get3A_0 = arith.constant 0 : index
    %get3A_1 = arith.constant 0 : index
    %get3A_2 = vector.load %arg2[%get3A, %get3A_0, %get3A_1] : memref<2x1000x128xf32, #tpu.memory_space<vmem>>, vector<1x1000x128xf32>
    %get3A_3 = vector.shape_cast %get3A_2 : vector<1x1000x128xf32> to vector<1000x128xf32>
    %get3A_4 = arith.constant 1 : index
    %get3A_5 = arith.constant 0 : index
    %get3A_6 = arith.constant 0 : index
    %get3A_7 = vector.load %arg2[%get3A_4, %get3A_5, %get3A_6] : memref<2x1000x128xf32, #tpu.memory_space<vmem>>, vector<1x1000x128xf32>
    %get3A_8 = vector.shape_cast %get3A_7 : vector<1x1000x128xf32> to vector<1000x128xf32>
    %add3A = arith.addf %get3A_3, %get3A_8 : vector<1000x128xf32>
    %get3A_9 = arith.constant 0 : index
    %get3A_10 = arith.constant 0 : index
    %get3A_11 = vector.load %arg1[%get3A_9, %get3A_10] : memref<1000x128xf32, #tpu.memory_space<vmem>>, vector<1000x128xf32>
    %sub3A = arith.subf %add3A, %get3A_11 : vector<1000x128xf32>
    %get3A_12 = arith.constant 0 : index
    %get3A_13 = arith.constant 0 : index
    %get3A_14 = vector.load %arg3[%get3A_12, %get3A_13] : memref<128x128xf32, #tpu.memory_space<vmem>>, vector<128x128xf32>
    %dot_general3A = arith.constant dense<0.000000e+00> : vector<1000x128xf32>
    %dot_general3A_15 = tpu.matmul %sub3A, %get3A_14, %dot_general3A {dimension_numbers = #tpu.dot_dimension_numbers<[1], [0], [0], [1], [0, 0, 1, 1], [], []>, transpose_lhs_hint = false} : vector<1000x128xf32>, vector<128x128xf32>, vector<1000x128xf32> -> vector<1000x128xf32>
    %get3A_16 = arith.constant 0 : index
    %get3A_17 = arith.constant 0 : index
    %get3A_18 = vector.load %arg4[%get3A_16, %get3A_17] : memref<1x128xf32, #tpu.memory_space<vmem>>, vector<1x128xf32>
    %add3A_19 = vector.broadcast %get3A_18 : vector<1x128xf32> to vector<1000x128xf32>
    %add3A_20 = arith.addf %dot_general3A_15, %add3A_19 : vector<1000x128xf32>
    %max3A = arith.constant 0.000000e+00 : f32
    %max3A_21 = vector.broadcast %max3A : f32 to vector<1000x128xf32>
    %max3A_22 = arith.maximumf %add3A_20, %max3A_21 : vector<1000x128xf32>
    %get3A_23 = arith.constant 0 : index
    %get3A_24 = arith.constant 0 : index
    %get3A_25 = vector.load %arg5[%get3A_23, %get3A_24] : memref<128x128xf32, #tpu.memory_space<vmem>>, vector<128x128xf32>
    %dot_general3A_26 = arith.constant dense<0.000000e+00> : vector<1000x128xf32>
    %dot_general3A_27 = tpu.matmul %max3A_22, %get3A_25, %dot_general3A_26 {dimension_numbers = #tpu.dot_dimension_numbers<[1], [0], [0], [1], [0, 0, 1, 1], [], []>, transpose_lhs_hint = false} : vector<1000x128xf32>, vector<128x128xf32>, vector<1000x128xf32> -> vector<1000x128xf32>
    %get3A_28 = arith.constant 0 : index
    %get3A_29 = arith.constant 0 : index
    %get3A_30 = vector.load %arg6[%get3A_28, %get3A_29] : memref<1x128xf32, #tpu.memory_space<vmem>>, vector<1x128xf32>
    %add3A_31 = vector.broadcast %get3A_30 : vector<1x128xf32> to vector<1000x128xf32>
    %add3A_32 = arith.addf %dot_general3A_27, %add3A_31 : vector<1000x128xf32>
    %max3A_33 = arith.constant 0.000000e+00 : f32
    %max3A_34 = vector.broadcast %max3A_33 : f32 to vector<1000x128xf32>
    %max3A_35 = arith.maximumf %add3A_32, %max3A_34 : vector<1000x128xf32>
    %get3A_36 = arith.constant 0 : index
    %get3A_37 = arith.constant 0 : index
    %get3A_38 = vector.load %arg7[%get3A_36, %get3A_37] : memref<128x128xf32, #tpu.memory_space<vmem>>, vector<128x128xf32>
    %dot_general3A_39 = arith.constant dense<0.000000e+00> : vector<1000x128xf32>
    %dot_general3A_40 = tpu.matmul %max3A_35, %get3A_38, %dot_general3A_39 {dimension_numbers = #tpu.dot_dimension_numbers<[1], [0], [0], [1], [0, 0, 1, 1], [], []>, transpose_lhs_hint = false} : vector<1000x128xf32>, vector<128x128xf32>, vector<1000x128xf32> -> vector<1000x128xf32>
    %get3A_41 = arith.constant 0 : index
    %get3A_42 = arith.constant 0 : index
    %get3A_43 = vector.load %arg8[%get3A_41, %get3A_42] : memref<1x128xf32, #tpu.memory_space<vmem>>, vector<1x128xf32>
    %add3A_44 = vector.broadcast %get3A_43 : vector<1x128xf32> to vector<1000x128xf32>
    %add3A_45 = arith.addf %dot_general3A_40, %add3A_44 : vector<1000x128xf32>
    %max3A_46 = arith.constant 0.000000e+00 : f32
    %max3A_47 = vector.broadcast %max3A_46 : f32 to vector<1000x128xf32>
    %max3A_48 = arith.maximumf %add3A_45, %max3A_47 : vector<1000x128xf32>
    %swap3A = arith.constant 0 : index
    %swap3A_49 = arith.constant 0 : index
    %swap3A_50 = vector.load %arg9[%swap3A, %swap3A_49] : memref<1000x128xf32, #tpu.memory_space<vmem>>, vector<1000x128xf32>
    tpu.vector_store %arg9[%swap3A, %swap3A_49], %max3A_48 {strides = array<i32>} : memref<1000x128xf32, #tpu.memory_space<vmem>>, vector<1000x128xf32>,
    return
  }
  func.func @transform_0(%arg0: i32) -> (i32, i32) {
    %c0_i32 = arith.constant 0 : i32
    %c0_i32_0 = arith.constant 0 : i32
    return %arg0, %c0_i32 : i32, i32
  }
  func.func @transform_1(%arg0: i32) -> (i32, i32, i32) {
    %c0_i32 = arith.constant 0 : i32
    %c0_i32_0 = arith.constant 0 : i32
    %c0_i32_1 = arith.constant 0 : i32
    return %c0_i32, %arg0, %c0_i32_0 : i32, i32, i32
  }
  func.func @transform_2(%arg0: i32) -> (i32, i32) {
    %c0_i32 = arith.constant 0 : i32
    %c0_i32_0 = arith.constant 0 : i32
    %c0_i32_1 = arith.constant 0 : i32
    return %c0_i32, %c0_i32_0 : i32, i32
  }
  func.func @transform_3(%arg0: i32) -> (i32, i32) {
    %c0_i32 = arith.constant 0 : i32
    %c0_i32_0 = arith.constant 0 : i32
    %c0_i32_1 = arith.constant 0 : i32
    return %c0_i32, %c0_i32_0 : i32, i32
  }
  func.func @transform_4(%arg0: i32) -> (i32, i32) {
    %c0_i32 = arith.constant 0 : i32
    %c0_i32_0 = arith.constant 0 : i32
    %c0_i32_1 = arith.constant 0 : i32
    return %c0_i32, %c0_i32_0 : i32, i32
  }
  func.func @transform_5(%arg0: i32) -> (i32, i32) {
    %c0_i32 = arith.constant 0 : i32
    %c0_i32_0 = arith.constant 0 : i32
    %c0_i32_1 = arith.constant 0 : i32
    return %c0_i32, %c0_i32_0 : i32, i32
  }
  func.func @transform_6(%arg0: i32) -> (i32, i32) {
    %c0_i32 = arith.constant 0 : i32
    %c0_i32_0 = arith.constant 0 : i32
    %c0_i32_1 = arith.constant 0 : i32
    return %c0_i32, %c0_i32_0 : i32, i32
  }
  func.func @transform_7(%arg0: i32) -> (i32, i32) {
    %c0_i32 = arith.constant 0 : i32
    %c0_i32_0 = arith.constant 0 : i32
    %c0_i32_1 = arith.constant 0 : i32
    return %c0_i32, %c0_i32_0 : i32, i32
  }
  func.func @transform_8(%arg0: i32) -> (i32, i32) {
    %c0_i32 = arith.constant 0 : i32
    %c0_i32_0 = arith.constant 0 : i32
    return %arg0, %c0_i32 : i32, i32
  }
}

</mosaic_0001>

<sc_bundles>
// kernel: kernel.4.cloned.1.call-start
scs
__scs_entry_jumppad:
0x0: {  	(pc) =	sbr.rel $0x88, $3  }
0x1: {  	(tag) =	ssettag $0x0;
	lr =	simm.s32 $0x1  }
0x2: {  	[smem:$0x3F99] =	sst lr;
	_ =	strace $0xD0000000  }
0x3: {  	_ = 	snop  }
0x4: {  	_ = 	snop  }
0x5: {  	_ = 	snop  }
0x6: {  	_ = 	snop  }
0x7: {  	_ = 	snop  }
__scs_overlays_trampoline_lowered:
0x8: {  	[smem:$0x3FA8] =	sst s0  }
0x9: {  	[smem:$0x3FA9] =	sst s1  }
0xa: {  	[smem:$0x3FAA] =	sst s2  }
0xb: {  	[smem:$0x3FAB] =	sst s3  }
0xc: {  	[smem:$0x3FAC] =	sst s4  }
0xd: {  	[smem:$0x3FAD] =	sst s5  }
0xe: {  	[smem:$0x3FAE] =	sst s6  }
0xf: {  	[smem:$0x3FAF] =	sst s7  }
0x10: {  	[smem:$0x3FB0] =	sst s8  }
0x11: {  	[smem:$0x3FB1] =	sst s9;
	s0 =	simm.s32 @!p0 $0x0  }
0x12: {  	s1 =	sld [smem:$0x3F97];
	s0 =	simm.s32 @p0 $0x1  }
0x13: {  	[smem:$0x3FB2] =	sst s0;
	s0 =	simm.s32 @!p1 $0x0  }
0x14: {  	s2 =	sld [smem:$0x3F96];
	s0 =	simm.s32 @p1 $0x1  }
0x15: {  	[smem:$0x3FB3] =	sst s0;
	s0 =	simm.s32 @!p2 $0x0  }
0x16: {  	s3 =	sld [smem:$0x3FDB];
	s0 =	simm.s32 @p2 $0x1  }
0x17: {  	s4 =	simm.s32 $0x1BF5;
	[smem:$0x3FB5] =	sst s0  }
0x18: {  	s0 =	sld [smem:$0x3F98];
	_ =	swait.ge [sflag:s4], $0x0  }
0x19: {  	s7 =	sld [smem:$0x3F99]  }
0x1a: {  	s8 =	sadd.s32 $0xFFFFE003, lr  }
0x1b: {  	s9 =	sadd.s32 $0xFFFFFEF7, lr;
	s5 =	simm.s32 $0xFFFFFFFF;
	p2 =	slt.u32 s8, $0xFFFFF086  }
0x1c: {  	p1 =	slt.u32 s9, $0xF7A;
	s5 =	simm.s32 @!p2 $0x0  }
0x1d: {  	s5 =	simm.s32 @p1 $0x1;
	p0 =	seq.s32 s7, s2  }
0x1e: {  	s7 =	smul.u32 @!p0 $0xF7A, s2;
	p2 =	seq.s32 @!p0 s5, $0x0  }
0x1f: {  	s9 =	smul.u32 $0xF7A, s1;
	s8 =	simm.s32 @!p0 $0x1BF5;
	p2 =	por !p2, p0  }
0x20: {  	[sflag:s8] =	ssyncset.s32 @!p0 $0xFFFFF086;
	s6 =	sadd.s32 @!p0 s3, s7;
	s7 =	simm.s32 @!p0 $0x108  }
0x21: {  	s3 =	sadd.s32 s3, s9;
	s6 =	sadd.s32 @!p0 $0x88, s6;
	s7 =	simm.s32 @p2 $0x1082  }
0x22: {  	[simem:s7], [sflag:s8] =	dma.local @!p0 [hbm:s6], $0xF7A  }
0x23: {  	s9 =	sor.u32 $0xD0000000, s2;
	s6 =	simm.s32 $0x108;
	_ =	swait.ge @!p0 [sflag:s8], $0x0  }
0x24: {  	s3 =	sadd.s32 $0x88, s3;
	s6 =	simm.s32 @!p1 $0x1082;
	[sflag:s4] =	ssyncset.s32 $0xFFFFF086  }
0x25: {  	[simem:s6], [sflag:s4] =	dma.local [hbm:s3], $0xF7A  }
0x26: {  	[smem:$0x3F99] =	sst s1;
	(tag) =	ssettag s2;
	_ =	strace s9  }
0x27: {  	s1 =	sld [smem:$0x3FA9]  }
0x28: {  	s2 =	sld [smem:$0x3FAA]  }
0x29: {  	s4 =	sld [smem:$0x3FAC]  }
0x2a: {  	p0 =	seq.s32 s5, $0x0;
	s5 =	sld [smem:$0x3FAD]  }
0x2b: {  	s6 =	sld [smem:$0x3FAE]  }
0x2c: {  	s7 =	sld [smem:$0x3FAF]  }
0x2d: {  	s3 =	simm.s32 $0x108;
	s8 =	sld [smem:$0x3FB0]  }
0x2e: {  	s3 =	simm.s32 @!p0 $0x1082;
	s9 =	sld [smem:$0x3FB1]  }
0x2f: {  	lr =	sadd.s32 s0, s3;
	s0 =	sld [smem:$0x3FA8]  }
0x30: {  	s3 =	sld [smem:$0x3FAB]  }
0x31: {  	[smem:$0x3FB4] =	sst s10  }
0x32: {  	s10 =	sld [smem:$0x3FB2];
	_ =	sdelay $0x3  }
0x33: {  	p0 =	seq.s32 s10, $0x1;
	s10 =	sld [smem:$0x3FB4];
	_ =	sdelay $0x3  }
0x34: {  	[smem:$0x3FB4] =	sst s10  }
0x35: {  	s10 =	sld [smem:$0x3FB3];
	_ =	sdelay $0x3  }
0x36: {  	p1 =	seq.s32 s10, $0x1;
	s10 =	sld [smem:$0x3FB4];
	_ =	sdelay $0x3  }
0x37: {  	[smem:$0x3FB4] =	sst s10  }
0x38: {  	s10 =	sld [smem:$0x3FB5]  }
0x39: {  	_ = 	snop;
	(pc) =	sbr.ind lr, $3  }
0x3a: {  	_ = 	snop  }
0x3b: {  	_ = 	snop  }
0x3c: {  	p2 =	seq.s32 s10, $0x1;
	s10 =	sld [smem:$0x3FB4]  }
0x3d: {  	_ =	shalt  }
0x3e: {  	_ =	shalt  }
0x3f: {  	_ =	shalt  }
0x40: {  	_ =	shalt  }
0x41: {  	_ =	shalt  }
0x42: {  	_ =	shalt  }
0x43: {  	_ =	shalt  }
0x44: {  	_ =	shalt  }
0x45: {  	_ =	shalt  }
0x46: {  	_ =	shalt  }
0x47: {  	_ =	shalt  }
0x48: {  	_ =	shalt  }
0x49: {  	_ =	shalt  }
0x4a: {  	_ =	shalt  }
0x4b: {  	_ =	shalt  }
0x4c: {  	_ =	shalt  }
0x4d: {  	_ =	shalt  }
0x4e: {  	_ =	shalt  }
0x4f: {  	_ =	shalt  }
0x50: {  	_ =	shalt  }
0x51: {  	_ =	shalt  }
0x52: {  	_ =	shalt  }
0x53: {  	_ =	shalt  }
0x54: {  	_ =	shalt  }
0x55: {  	_ =	shalt  }
0x56: {  	_ =	shalt  }
0x57: {  	_ =	shalt  }
0x58: {  	_ =	shalt  }
0x59: {  	_ =	shalt  }
0x5a: {  	_ =	shalt  }
0x5b: {  	_ =	shalt  }
0x5c: {  	_ =	shalt  }
0x5d: {  	_ =	shalt  }
0x5e: {  	_ =	shalt  }
0x5f: {  	_ =	shalt  }
0x60: {  	_ =	shalt  }
0x61: {  	_ =	shalt  }
0x62: {  	_ =	shalt  }
0x63: {  	_ =	shalt  }
0x64: {  	_ =	shalt  }
0x65: {  	_ =	shalt  }
0x66: {  	_ =	shalt  }
0x67: {  	_ =	shalt  }
0x68: {  	_ =	shalt  }
0x69: {  	_ =	shalt  }
0x6a: {  	_ =	shalt  }
0x6b: {  	_ =	shalt  }
0x6c: {  	_ =	shalt  }
0x6d: {  	_ =	shalt  }
0x6e: {  	_ =	shalt  }
0x6f: {  	_ =	shalt  }
0x70: {  	_ =	shalt  }
0x71: {  	_ =	shalt  }
0x72: {  	_ =	shalt  }
0x73: {  	_ =	shalt  }
0x74: {  	_ =	shalt  }
0x75: {  	_ =	shalt  }
0x76: {  	_ =	shalt  }
0x77: {  	_ =	shalt  }
0x78: {  	_ =	shalt  }
0x79: {  	_ =	shalt  }
0x7a: {  	_ =	shalt  }
0x7b: {  	_ =	shalt  }
0x7c: {  	_ =	shalt  }
0x7d: {  	_ =	shalt  }
0x7e: {  	_ =	shalt  }
0x7f: {  	_ =	shalt  }
0x80: {  	_ =	shalt  }
0x81: {  	_ =	shalt  }
0x82: {  	_ =	shalt  }
0x83: {  	_ =	shalt  }
0x84: {  	_ =	shalt  }
0x85: {  	_ =	shalt  }
0x86: {  	_ =	shalt  }
0x87: {  	_ =	shalt  }
.Lfunc_end0:
.L_simem_size_0:
called_computation_lowered:
.L_overlay_start_0:
0x88: {  	s2 =	sld [smem:$0x3FD9]  }
0x89: {  	s3 =	sld [smem:$0x3FFE];
	_ =	sdelay $0x1  }
0x8a: {  	s1 =	srdreg.scid  }
0x8b: {  	s0 =	sand.u32 $0x1, s1  }
0x8c: {  	s17 =	sshll.u32 s0, $0xA;
	s2 =	sadd.s32 s3, s2  }
0x8d: {  	s2 =	sadd.s32 s2, s17  }
0x8e: {  	[smem:$0x3FC0] =	sst s2  }
0x8f: {  	_ = 	snop  }
0x90: {  	s2 =	sld [smem:$0x3FC9]  }
0x91: {  	s18 =	sld [smem:$0x3FD0];
	(tm) =	ssettm $0x1  }
0x92: {  	s4 =	sld [smem:$0x3FFB];
	_ =	sdelay $0x3  }
0x93: {  	_ =	strace s4  }
0x94: {  	s4 =	sld [smem:$0x3FFC];
	_ =	sdelay $0x3  }
0x95: {  	_ =	strace s4  }
0x96: {  	s4 =	sld [smem:$0x3FFD];
	_ =	sdelay $0x3  }
0x97: {  	_ =	strace s4  }
0x98: {  	_ =	strace $0x8FFFFFFF  }
0x99: {  	s19 =	sld [smem:$0x3FDB];
	_ =	sdelay $0x1  }
0x9a: {  	s5 =	simm.s32 $_scs_section_size  }
0x9b: {  	s6 =	simm.s32 $_size__tile_overlayer_lowered;
	s7 =	simm.s32 $_tile_overlayer_lowered  }
0x9c: {  	s22 =	simm.s32 $0x1BFF;
	s21 =	sshll.u32 s7, $0x1;
	s4 =	sadd.s32 s5, s19  }
0x9d: {  	s8 =	simm.s32 $0x0;
	s20 =	sshll.u32 s6, $0x1;
	s6 =	sadd.s32 s21, s4  }
0x9e: {  	[timem:s8], [sflag:s22] =	dma.local [hbm:s6], s20  }
0x9f: {  	_ =	swait.ge [sflag:s22], s20  }
0xa0: {  	s5 =	ssub.s32 $0x0, s20;
	[sflag:s22] =	ssyncset.done $0x0  }
0xa1: {  	[sflag:s22] =	ssyncadd.s32 s5;
	_ =	sdelay $0x1  }
0xa2: {  	s23 =	simm.s32 $0x1B8B  }
0xa3: {  	_ =	swait.ge [sflag:s23], $0x1  }
0xa4: {  	[sflag:s23] =	ssyncset.done $0x0  }
0xa5: {  	s25 =	simm.s32 $0x1B8E;
	s24 =	sld [smem:$0x3FFE];
	[sflag:s23] =	ssyncadd.s32 $0xFFFFFFFF  }
0xa6: {  	s26 =	simm.s32 $execute0_lowered;
	[smem:$0x3FD2] =	sst s25  }
0xa7: {  	s6 =	sshll.u32 s26, $0x1;
	_ =	strace $0x80000046;
	[dreg:$0x1] =	wrdreg $0xFFFFFFFF  }
0xa8: {  	s28 =	simm.s32 $_size_execute0_lowered;
	s4 =	sadd.s32 s4, s6;
	[dreg:$0x0] =	wrdreg $0x0  }
0xa9: {  	s6 =	sshll.u32 s28, $0x1;
	[dreg:$0x2] =	wrdreg s4  }
0xaa: {  	[dreg:$0x3] =	wrdreg s6  }
0xab: {  	[dreg:$0x4] =	wrdreg $0xC0  }
0xac: {  	_ =	task [dreg:s8], $0x5FFFF  }
0xad: {  	[dreg:$0x1] =	wrdreg $0xFFFFFFFF  }
0xae: {  	[dreg:$0x0] =	wrdreg $0x60  }
0xaf: {  	[dreg:$0x2] =	wrdreg s2  }
0xb0: {  	[dreg:$0x3] =	wrdreg s18  }
0xb1: {  	[dreg:$0x4] =	wrdreg s24  }
0xb2: {  	[dreg:$0x5] =	wrdreg $0xBC000  }
0xb3: {  	[dreg:$0x6] =	wrdreg $0x9  }
0xb4: {  	_ =	task.clear_ibuf [dreg:s8], $0x7FFFF;
	_ =	strace $0x90000046  }
0xb5: {  	s29 =	simm.s32 $0x9;
	_ =	strace $0x80000048  }
0xb6: {  	_ =	swait.ge [sflag:s29], $0x1  }
0xb7: {  	[sflag:s29] =	ssyncadd.s32 $0xFFFFFFFF  }
0xb8: {  	_ =	strace $0x90000048  }
0xb9: {  	_ =	sfence  }
0xba: {  	s30 =	sld [smem:$0x0];
	_ =	sdelay $0x2  }
0xbb: {  	s31 =	sshll.u32 s1, $0xD;
	s1 =	sshrl.u32 s1, $0x2  }
0xbc: {  	s3 =	sand.u32 $0x4000, s31;
	s1 =	sadd.s32 s1, s30  }
0xbd: {  	s0 =	sor.u32 s3, s0;
	s1 =	sshll.u32 s1, $0x11  }
0xbe: {  	s0 =	sor.u32 s1, s0  }
0xbf: {  	s0 =	sadd.s32 $0x8F2B, s0  }
0xc0: {  	[sflag:s0] =	ssyncadd.remote.s32 $0x1  }
0xc1: {  	_ =	sfence.sel $0xFFFF  }
0xc2: {  	[dreg:$0x0] =	wrdreg $0xFFFFFFFF;
	(pc) =	sbr.abs _section_cstart, $3  }
0xc3: {  	[dreg:$0x1] =	wrdreg $0xFFFFFFFF  }
0xc4: {  	_ =	task.clear_ibuf [dreg:s8], $0x2FFFF;
	_ =	strace $0x9FFFFFFF  }
0xc5: {  	(tm) =	ssettm $0x7FFFFFFF  }
tec
execute0_lowered:
.L_overlay_start_1:
0x0: {  	(tag) =	ssettag $0x1  }
0x1: {  	s1 =	rddreg [dreg:$0x0]  }
0x2: {  	s2 =	rddreg [dreg:$0x1]  }
0x3: {  	s0 =	rddreg [dreg:$0x2];
	s3 =	srdreg.scid  }
0x4: {  	s13 =	stileid.u32;
	s4 =	rddreg [dreg:$0x3];
	s5 =	simm.s32 $0x0  }
0x5: {  	s29 =	simm.s32 $0x180;
	s31 =	simm.s32 $0xB;
	s3 =	sand.u32 $0x1, s3  }
0x6: {  	s6 =	sshll.u32 s13, $0x1;
	[smem:$0x7FF] =	sst s5;
	s7 =	sadd.s32 $0x1600, s0  }
0x7: {  	s0 =	sadd.s32 $0x13600, s0;
	s20 =	smul.u32 $0x13800, s13;
	s6 =	sor.u32 s3, s6  }
0x8: {  	s25 =	sshll.u32 s13, $0x6;
	s8 =	ssub.s32 $0x2, s3;
	s6 =	smul.u32 $0x4800, s6  }
0x9: {  	p0 =	sne.s32 s13, $0xF;
	s28 =	sadd.s32 $0x27000, s1;
	s9 =	sshrl.u32 s8, $0x1  }
0xa: {  	_ =	strace $0x80000047;
	s8 =	ssub.s32 s8, s9;
	s30 =	sshrl.u32 s6, $0x3  }
0xb: {  	s26 =	smax.u32 s8, $0x1;
	s10 =	sadd.s32 s2, s30;
	s11 =	sadd.s32 s7, s30  }
0xc: {  	s12 =	sor.u32 $0x10, s30;
	s14 =	sor.u32 $0x20, s30;
	[dreg:$0x15] =	wrdreg s26  }
0xd: {  	s16 =	sor.u32 $0x30, s30;
	s18 =	sor.u32 $0x40, s30;
	[dreg:$0x5] =	wrdreg s10  }
0xe: {  	s9 =	sor.u32 $0x50, s30;
	s30 =	sadd.s32 $0x138000, s4;
	[dreg:$0x6] =	wrdreg s11  }
0xf: {  	s3 =	smul.u32 $0x138800, s3;
	s11 =	sadd.s32 s2, s12;
	[dreg:$0x16] =	wrdreg s30  }
0x10: {  	s23 =	sshrl.u32 s20, $0x3;
	s10 =	sadd.s32 s7, s12;
	[dreg:$0x7] =	wrdreg s11  }
0x11: {  	s8 =	simm.s32 $0x48;
	s15 =	sadd.s32 s2, s14;
	[dreg:$0x8] =	wrdreg s10  }
0x12: {  	s17 =	sadd.s32 s2, s16;
	s12 =	smul.u32 $0x4E000, s13;
	[dreg:$0x9] =	wrdreg s15  }
0x13: {  	s19 =	sadd.s32 s2, s18;
	s21 =	sadd.s32 s2, s9;
	[dreg:$0xb] =	wrdreg s17  }
0x14: {  	s9 =	sadd.s32 s7, s9;
	s13 =	simm.s32 $0x7;
	[dreg:$0xd] =	wrdreg s19  }
0x15: {  	s10 =	sadd.s32 s7, s14;
	s11 =	sadd.s32 s7, s18;
	[dreg:$0xf] =	wrdreg s21  }
0x16: {  	[dreg:$0x10] =	wrdreg s9;
	s14 =	simm.s32 $0x8;
	s15 =	simm.s32 $0x9  }
0x17: {  	s17 =	simm.s32 $0x0;
	[dreg:$0xa] =	wrdreg s10;
	s10 =	sadd.s32 s7, s16  }
0x18: {  	[dreg:$0xe] =	wrdreg s11;
	s22 =	sshrl.u32 s12, $0x2;
	s11 =	simm.s32 $0xE  }
0x19: {  	s12 =	simm.s32 $0x6;
	s16 =	simm.s32 $0xA;
	[dreg:$0xc] =	wrdreg s10  }
0x1a: {  	s9 =	sadd.s32 s22, s4;
	s10 =	sadd.s32 s20, s3;
	s3 =	sshrl.u32 s3, $0x3  }
.Ltmp0:
0x1b: {  	[dreg:$0x11] =	wrdreg s9;
	s9 =	sadd.s32 s1, s23;
	(pc) =	sbr.rel .LBB2_1-.Ltmp0, $4  }
0x1c: {  	s24 =	sshrl.u32 s10, $0x3;
	s23 =	sor.u32 $0x1C11, s25;
	s10 =	simm.s32 $0xD  }
0x1d: {  	[dreg:$0x12] =	wrdreg s9;
	s9 =	sadd.s32 s0, s24;
	s0 =	sadd.s32 s0, s3  }
0x1e: {  	s3 =	simm.s32 $0x100;
	[dreg:$0x13] =	wrdreg s9;
	s0 =	sadd.s32 $0x27000, s0  }
0x1f: {  	s9 =	simm.s32 $0xC;
	[dreg:$0x14] =	wrdreg s0;
	s0 =	simm.s32 $0x11  }
.LBB2_5:
0x20: {  	_ =	swait.ge [sflag:s12], $0x2400  }
0x21: {  	[sflag:s12] =	ssyncset.done $0x0  }
0x22: {  	[sflag:s12] =	ssyncadd.s32 $0xFFFFDC00  }
0x23: {  	_ =	swait.ge [sflag:s13], $0x2400  }
0x24: {  	[sflag:s13] =	ssyncset.done $0x0  }
0x25: {  	[sflag:s13] =	ssyncadd.s32 $0xFFFFDC00  }
0x26: {  	_ =	swait.ge [sflag:s14], $0x2400  }
0x27: {  	[sflag:s14] =	ssyncset.done $0x0  }
0x28: {  	[sflag:s14] =	ssyncadd.s32 $0xFFFFDC00  }
0x29: {  	_ =	swait.ge [sflag:s15], $0x2400  }
0x2a: {  	[sflag:s15] =	ssyncset.done $0x0  }
0x2b: {  	[sflag:s15] =	ssyncadd.s32 $0xFFFFDC00  }
0x2c: {  	_ =	swait.ge [sflag:s16], $0x2400  }
0x2d: {  	[sflag:s16] =	ssyncset.done $0x0  }
0x2e: {  	[sflag:s16] =	ssyncadd.s32 $0xFFFFDC00  }
0x2f: {  	[bflag:$0x0] =	sbarrier.arrive $0xFFFF  }
0x30: {  	s20 =	rddreg [dreg:$0x13]  }
0x31: {  	[hbm:s20], [sflag:s23] =	dma.local [spmem:s18], $0x2700  }
0x32: {  	_ =	swait.ge [sflag:s0], $0x2700  }
0x33: {  	[sflag:s0] =	ssyncset.done $0x0  }
0x34: {  	s18 =	rddreg [dreg:$0x14];
	[sflag:s0] =	ssyncadd.s32 $0xFFFFD900  }
0x35: {  	[hbm:s18], [sflag:s23] =	dma.local @!p0 [spmem:s19], $0x100  }
0x36: {  	s18 =	simm.s32 @!p0 $0x11  }
0x37: {  	_ =	swait.ge @!p0 [sflag:s18], $0x100  }
0x38: {  	s17 =	sadd.s32 $0x1, s17;
	s30 =	rddreg [dreg:$0x15]  }
0x39: {  	p1 =	sne.s32 s17, s30  }
.Ltmp1:
0x3a: {  	_ = 	snop;
	(pc) =	sbr.rel @!p1 .LBB2_6-.Ltmp1, $3  }
0x3b: {  	_ =	sdelay $0x1  }
0x3c: {  	[sflag:s18] =	ssyncset.done @!p0 $0x0  }
0x3d: {  	[sflag:s18] =	ssyncadd.s32 @!p0 $0xFFFFFF00  }
.LBB2_1:
0x3e: {  	s18 =	rddreg [dreg:$0x5]  }
0x3f: {  	s22 =	rddreg [dreg:$0x6]  }
0x40: {  	s24 =	rddreg [dreg:$0x7]  }
0x41: {  	[tilespmem:s5], [sflag:$0xB] =	stream.linear.gather [hbm4b:s18+s5], $0x80, $0x38;
	[tilespmem:$0x1F4C0] =	vst v63  }
0x42: {  	s19 =	simm.s32 $0x400;
	s25 =	rddreg [dreg:$0x8]  }
0x43: {  	[tilespmem:s19], [sflag:$0xB] =	stream.linear.gather [hbm4b:s22+s5], $0x80, $0x38;
	[tilespmem:$0x1F4C0] =	vst v63  }
0x44: {  	s21 =	simm.s32 $0x80;
	s30 =	rddreg [dreg:$0x9]  }
0x45: {  	[tilespmem:s21], [sflag:$0xC] =	stream.linear.gather [hbm4b:s24+s5], $0x80, $0x38;
	[tilespmem:$0x1F4C0] =	vst v63  }
0x46: {  	s26 =	simm.s32 $0x480;
	s19 =	rddreg [dreg:$0xa]  }
0x47: {  	[tilespmem:s26], [sflag:$0xC] =	stream.linear.gather [hbm4b:s25+s5], $0x80, $0x38;
	[tilespmem:$0x1F4C0] =	vst v63  }
0x48: {  	s22 =	rddreg [dreg:$0xb]  }
0x49: {  	[tilespmem:s3], [sflag:$0xD] =	stream.linear.gather [hbm4b:s30+s5], $0x80, $0x38;
	[tilespmem:$0x1F4C0] =	vst v63  }
0x4a: {  	s20 =	simm.s32 $0x500;
	s24 =	rddreg [dreg:$0xc]  }
0x4b: {  	[tilespmem:s20], [sflag:$0xD] =	stream.linear.gather [hbm4b:s19+s5], $0x80, $0x38;
	[tilespmem:$0x1F4C0] =	vst v63  }
0x4c: {  	s26 =	rddreg [dreg:$0xd]  }
0x4d: {  	[tilespmem:s29], [sflag:$0xE] =	stream.linear.gather [hbm4b:s22+s5], $0x80, $0x38;
	[tilespmem:$0x1F4C0] =	vst v63  }
0x4e: {  	s25 =	simm.s32 $0x580;
	s20 =	rddreg [dreg:$0xe]  }
0x4f: {  	[tilespmem:s25], [sflag:$0xE] =	stream.linear.gather [hbm4b:s24+s5], $0x80, $0x38;
	[tilespmem:$0x1F4C0] =	vst v63  }
0x50: {  	s30 =	simm.s32 $0x200;
	s24 =	rddreg [dreg:$0xf]  }
0x51: {  	[tilespmem:s30], [sflag:$0xF] =	stream.linear.gather [hbm4b:s26+s5], $0x80, $0x38;
	[tilespmem:$0x1F4C0] =	vst v63  }
0x52: {  	s22 =	simm.s32 $0x600;
	s26 =	rddreg [dreg:$0x10]  }
0x53: {  	[tilespmem:s22], [sflag:$0xF] =	stream.linear.gather [hbm4b:s20+s5], $0x80, $0x38;
	[tilespmem:$0x1F4C0] =	vst v63  }
0x54: {  	s25 =	simm.s32 $0x280;
	s20 =	rddreg [dreg:$0x11]  }
0x55: {  	[tilespmem:s25], [sflag:$0x10] =	stream.linear.gather [hbm4b:s24+s5], $0x80, $0x38;
	[tilespmem:$0x1F4C0] =	vst v63  }
0x56: {  	s30 =	simm.s32 $0x680;
	s22 =	rddreg [dreg:$0x12];
	s18 =	sshrl.u32 s20, $0x3  }
0x57: {  	[tilespmem:s30], [sflag:$0x10] =	stream.linear.gather [hbm4b:s26+s5], $0x80, $0x38;
	[tilespmem:$0x1F4C0] =	vst v63  }
0x58: {  	[spmem:s18], [sflag:s23] =	dma.local [hbm:s22], $0x2700  }
0x59: {  	_ =	swait.ge [sflag:s0], $0x2700  }
0x5a: {  	[sflag:s0] =	ssyncset.done $0x0;
	s19 =	rddreg [dreg:$0x16]  }
0x5b: {  	s20 =	simm.s32 @!p0 $0x11;
	[sflag:s0] =	ssyncadd.s32 $0xFFFFD900;
	s19 =	sshrl.u32 @!p0 s19, $0x3  }
0x5c: {  	[spmem:s19], [sflag:s23] =	dma.local @!p0 [hbm:s28], $0x100  }
0x5d: {  	_ =	swait.ge @!p0 [sflag:s20], $0x100  }
0x5e: {  	[sflag:s20] =	ssyncset.done @!p0 $0x0  }
0x5f: {  	[sflag:s20] =	ssyncadd.s32 @!p0 $0xFFFFFF00  }
0x60: {  	[bflag:$0x0] =	sbarrier.arrive $0xFFFF  }
0x61: {  	_ =	swait.ge [sflag:s31], $0x80  }
0x62: {  	[sflag:s31] =	ssyncset.done $0x0  }
0x63: {  	[sflag:s31] =	ssyncadd.s32 $0xFFFFFF80  }
0x64: {  	_ =	swait.ge [sflag:s31], $0x80  }
0x65: {  	[sflag:s31] =	ssyncset.done $0x0  }
0x66: {  	s24 =	simm.s32 $0x800;
	[sflag:s31] =	ssyncadd.s32 $0xFFFFFF80  }
0x67: {  	[tilespmem:s24], [sflag:$0x1] =	stream.indirect.gather [hbm4b:s1+s8], $0x80, s5, s8, $0xb8;
	[tilespmem:$0x1F4C0] =	vst v63  }
0x68: {  	_ =	swait.ge [sflag:s9], $0x80  }
0x69: {  	[sflag:s9] =	ssyncset.done $0x0  }
0x6a: {  	[sflag:s9] =	ssyncadd.s32 $0xFFFFFF80  }
0x6b: {  	_ =	swait.ge [sflag:s9], $0x80  }
0x6c: {  	[sflag:s9] =	ssyncset.done $0x0  }
0x6d: {  	s25 =	simm.s32 $0x2C00;
	[sflag:s9] =	ssyncadd.s32 $0xFFFFFF80  }
0x6e: {  	[tilespmem:s25], [sflag:$0x2] =	stream.indirect.gather [hbm4b:s1+s8], $0x80, s21, s8, $0xb8;
	[tilespmem:$0x1F4C0] =	vst v63  }
0x6f: {  	_ =	swait.ge [sflag:s10], $0x80  }
0x70: {  	[sflag:s10] =	ssyncset.done $0x0  }
0x71: {  	[sflag:s10] =	ssyncadd.s32 $0xFFFFFF80  }
0x72: {  	_ =	swait.ge [sflag:s10], $0x80  }
0x73: {  	[sflag:s10] =	ssyncset.done $0x0  }
0x74: {  	s26 =	simm.s32 $0x5000;
	[sflag:s10] =	ssyncadd.s32 $0xFFFFFF80  }
0x75: {  	[tilespmem:s26], [sflag:$0x3] =	stream.indirect.gather [hbm4b:s1+s8], $0x80, s3, s8, $0xb8;
	[tilespmem:$0x1F4C0] =	vst v63  }
0x76: {  	_ =	swait.ge [sflag:s11], $0x80  }
0x77: {  	[sflag:s11] =	ssyncset.done $0x0  }
.Ltmp2:
0x78: {  	[sflag:s11] =	ssyncadd.s32 $0xFFFFFF80;
	(pc) =	sbr.rel .LBB2_2-.Ltmp2, $4  }
0x79: {  	_ =	swait.ge [sflag:s11], $0x80  }
0x7a: {  	s30 =	simm.s32 $0x7400;
	[sflag:s11] =	ssyncset.done $0x0  }
0x7b: {  	s20 =	simm.s32 $0x280;
	s21 =	simm.s32 $0x0;
	[sflag:s11] =	ssyncadd.s32 $0xFFFFFF80  }
0x7c: {  	[tilespmem:s30], [sflag:$0x4] =	stream.indirect.gather [hbm4b:s1+s8], $0x80, s29, s8, $0xb8;
	[tilespmem:$0x1F4C0] =	vst v63  }
.LBB2_4:
0x7d: {  	s21 =	sadd.s32 $0x1, s21  }
0x7e: {  	p1 =	sne.s32 s21, $0x8B  }
.Ltmp3:
0x7f: {  	_ = 	snop;
	(pc) =	sbr.rel @!p1 .LBB2_5-.Ltmp3, $2  }
0x80: {  	_ =	sdelay $0x2  }
0x81: {  	s20 =	sadd.s32 $0x80, s20  }
.LBB2_2:
0x82: {  	s22 =	sand.u32 $0xFF, s21  }
0x83: {  	s24 =	smul.u32 $0xCD, s22;
	_ =	sdelay $0x1  }
0x84: {  	s25 =	smul.u32 $0xAB, s22;
	s24 =	sshrl.u32 s24, $0xA  }
0x85: {  	s24 =	smul.u32 $0x5, s24  }
0x86: {  	s25 =	sshrl.u32 s25, $0xA  }
0x87: {  	s25 =	smul.u32 $0x6, s25;
	s24 =	ssub.s32 s21, s24  }
0x88: {  	s24 =	sand.u32 $0xFF, s24  }
0x89: {  	p1 =	sgt.u32 s21, $0x86;
	s25 =	ssub.s32 s21, s25;
	s26 =	smul.u32 $0x9000, s24  }
.Ltmp4:
0x8a: {  	s25 =	sand.u32 $0xF7, s25;
	s30 =	sadd.s32 $0x1, s24;
	(pc) =	sbr.rel @p1 .LBB2_4-.Ltmp4, $4  }
0x8b: {  	s25 =	sshll.u32 s25, $0x7;
	_ =	swait.ge [sflag:s30], $0x2400  }
0x8c: {  	s24 =	sadd.s32 $0x6, s24;
	[sflag:s30] =	ssyncset.done $0x0;
	s26 =	sshrl.u32 s26, $0x2  }
0x8d: {  	s25 =	sor.u32 $0x400, s25;
	[sflag:s30] =	ssyncadd.s32 $0xFFFFDC00;
	s26 =	sadd.s32 $0x800, s26  }
0x8e: {  	[spmem:s4] =	stream.indirect.scatter.add.f32 [tilespmem:s26], [sflag:s24], $0x80, s25, s8, $0xb8;
	[tilespmem:$0x1F4C0] =	vst v63  }
0x8f: {  	s24 =	sadd.s32 $0x4, s21  }
0x90: {  	s25 =	sand.u32 $0xFF, s24  }
0x91: {  	s26 =	smul.u32 $0xCD, s25;
	_ =	sdelay $0x1  }
0x92: {  	s25 =	smul.u32 $0xAB, s25;
	s26 =	sshrl.u32 s26, $0xA  }
0x93: {  	s26 =	smul.u32 $0x5, s26;
	_ =	sdelay $0x1  }
0x94: {  	s25 =	sshrl.u32 s25, $0xA;
	s26 =	ssub.s32 s24, s26  }
0x95: {  	p1 =	seq.s32 s21, $0x0;
	s25 =	smul.u32 $0x6, s25;
	s26 =	sand.u32 $0xFF, s26  }
0x96: {  	s30 =	sadd.s32 @!p1 $0x6, s26  }
0x97: {  	s24 =	ssub.s32 s24, s25;
	_ =	swait.ge @!p1 [sflag:s30], $0x2400  }
0x98: {  	s24 =	sand.u32 $0xFF, s24;
	[sflag:s30] =	ssyncset.done @!p1 $0x0  }
0x99: {  	s25 =	sadd.s32 $0xB, s24;
	[sflag:s30] =	ssyncadd.s32 @!p1 $0xFFFFDC00  }
0x9a: {  	_ =	swait.ge [sflag:s25], $0x80  }
0x9b: {  	[sflag:s25] =	ssyncset.done $0x0  }
0x9c: {  	p1 =	seq.s32 s22, $0x0;
	[sflag:s25] =	ssyncadd.s32 $0xFFFFFF80  }
0x9d: {  	s30 =	smul.u32 $0x9000, s26;
	p2 =	seq.s32 @!p1 s22, $0x86;
	_ =	swait.ge [sflag:s25], $0x80  }
0x9e: {  	s26 =	sadd.s32 $0x1, s26;
	p1 =	por p2, p1;
	[sflag:s25] =	ssyncset.done $0x0  }
0x9f: {  	s30 =	sshrl.u32 s30, $0x2;
	[sflag:s25] =	ssyncadd.s32 $0xFFFFFF80;
	s25 =	sadd.s32 @!p1 $0x5, s21  }
0xa0: {  	s22 =	sshll.u32 s24, $0x7;
	s24 =	sadd.s32 $0x800, s30;
	s30 =	smul.u32 @!p1 $0xAB, s25  }
0xa1: {  	[tilespmem:s24], [sflag:s26] =	stream.indirect.gather [hbm4b:s1+s8], $0x80, s22, s8, $0xb8;
	[tilespmem:$0x1F4C0] =	vst v63  }
0xa2: {  	s22 =	sshrl.u32 @!p1 s30, $0xA  }
0xa3: {  	s22 =	sand.u32 @!p1 $0x3F, s22  }
0xa4: {  	s22 =	smul.u32 @!p1 $0x6, s22  }
0xa5: {  	s24 =	sand.u32 @!p1 $0xFC00, s20  }
0xa6: {  	s24 =	sadd.s32 @!p1 s6, s24;
	s22 =	ssub.s32 @!p1 s25, s22;
	s25 =	sand.u32 @!p1 $0x380, s20  }
0xa7: {  	s30 =	simm.s32 @!p1 $0x0;
	s24 =	sor.u32 @!p1 s25, s24  }
.Ltmp5:
0xa8: {  	s22 =	sand.u32 @!p1 $0xFF, s22;
	s24 =	sshrl.u32 @!p1 s24, $0x3;
	(pc) =	sbr.rel .LBB2_4-.Ltmp5, $4  }
0xa9: {  	s25 =	sadd.s32 @!p1 $0xB, s22;
	s22 =	sshll.u32 @!p1 s22, $0x7;
	s26 =	sadd.s32 @!p1 s2, s24  }
0xaa: {  	[tilespmem:s22], [sflag:s25] =	stream.linear.gather @!p1 [hbm4b:s26+s30], $0x80, $0x38;
	[tilespmem:$0x1F4C0] =	vst v63  }
0xab: {  	s24 =	sadd.s32 @!p1 s7, s24;
	s22 =	sor.u32 @!p1 $0x400, s22  }
0xac: {  	[tilespmem:s22], [sflag:s25] =	stream.linear.gather @!p1 [hbm4b:s24+s30], $0x80, $0x38;
	[tilespmem:$0x1F4C0] =	vst v63  }
.LBB2_6:
0xad: {  	_ =	sfence.sel $0x180000  }
0xae: {  	[bflag:$0x0] =	sbarrier.arrive $0xFFFF  }
0xaf: {  	_ =	strace $0x90000047  }
0xb0: {  	s0 =	stileid.u32;
	[bflag:$0x2] =	sbarrier.arrive $0xFFFF  }
0xb1: {  	p0 =	sne.s32 s0, $0x0;
	s0 =	rddreg [dreg:$0x4]  }
0xb2: {  	s0 =	sadd.s32 @!p0 $0x100000, s0  }
0xb3: {  	[sflag:s0] =	ssyncadd.tile.s32 @!p0 $0x1;
	_ =	shalt  }
.Lfunc_end2:
_tile_overlayer_lowered:
.L_overlay_start_2:
0xb4: {  	(tag) =	ssettag $0x2  }
0xb5: {  	s0 =	rddreg [dreg:$0x0];
	s2 =	stileid.u32  }
0xb6: {  	s1 =	rddreg [dreg:$0x1];
	p0 =	sne.s32 s2, $0x0  }
0xb7: {  	s3 =	rddreg [dreg:$0x2];
	[bflag:$0x3] =	sbarrier.arrive $0xFFFF;
	s2 =	simm.s32 @!p0 $0x1C11  }
0xb8: {  	[timem:s3], [sflag:s2] =	dma.local @!p0 [hbm:s0], s1  }
0xb9: {  	s0 =	simm.s32 @!p0 $0x11  }
0xba: {  	_ =	swait.ge @!p0 [sflag:s0], s1  }
0xbb: {  	s1 =	ssub.s32 @!p0 $0x0, s1;
	[sflag:s0] =	ssyncset.done @!p0 $0x0  }
0xbc: {  	[sflag:s0] =	ssyncadd.s32 @!p0 s1  }
0xbd: {  	[bflag:$0x3] =	sbarrier.arrive $0xFFFF  }
0xbe: {  	_ =	shalt  }

</sc_bundles>
